<compile_context>
chip_gen: v7x
topology: tpu7x:2x2x1
jax: 0.10.2.dev20260603
libtpu: 0.0.44.dev20260713+nightly
codegen_flags: <defaults>
</compile_context>

<pallas_src>
import jax
import jax.numpy as jnp
from jax import lax
from jax.experimental import pallas as pl
from jax.experimental.pallas import tpu as pltpu
from jax.experimental.pallas import tpu_sc as plsc

B, S = 4096, 200
BS = B * S

VOCABS = [7, 7, 2, 3, 4, 2, 10, 3]
WIDTHS = [16, 16, 8, 8, 16, 8, 16, 16]
WOFFS = [0, 16, 32, 40, 48, 64, 72, 88]
NA, NB_ = 294, 240
STRIDES = [42 * NB_, 6 * NB_, 3 * NB_, NB_, 60, 30, 3, 1]
ADIGS = [(42, 7), (6, 7), (3, 2), (1, 3)]
BDIGS = [(60, 4), (30, 2), (3, 10), (1, 3)]

QA_ROWS_PER_STEP = 6


def _table_body(e0, e1, e2, e3, e4, e5, e6, e7, w_ref, b_ref, out_ref,
                qa_ref, qb_ref):
    es = [e0, e1, e2, e3, e4, e5, e6, e7]

    @pl.when(pl.program_id(0) == 0)
    def _build_quads():
        ps = []
        for t in range(8):
            ps.append(jnp.dot(es[t][...], w_ref[WOFFS[t]:WOFFS[t] + WIDTHS[t], :],
                              preferred_element_type=jnp.float32))
        qa = jnp.broadcast_to(b_ref[...], (NA, 128))
        for t, (stride, voc) in enumerate(ADIGS):
            r = lax.broadcasted_iota(jnp.int32, (NA, VOCABS[t]), 0)
            c = lax.broadcasted_iota(jnp.int32, (NA, VOCABS[t]), 1)
            sel = ((r // stride) % voc == c).astype(jnp.float32)
            qa = qa + jnp.dot(sel, ps[t], preferred_element_type=jnp.float32)
        qa_ref[...] = qa
        qb = jnp.zeros((NB_, 128), jnp.float32)
        for k, (stride, voc) in enumerate(BDIGS):
            t = 4 + k
            r = lax.broadcasted_iota(jnp.int32, (NB_, VOCABS[t]), 0)
            c = lax.broadcasted_iota(jnp.int32, (NB_, VOCABS[t]), 1)
            sel = ((r // stride) % voc == c).astype(jnp.float32)
            qb = qb + jnp.dot(sel, ps[t], preferred_element_type=jnp.float32)
        qb_ref[...] = qb

    i = pl.program_id(0)
    qa_rows = qa_ref[pl.ds(i * QA_ROWS_PER_STEP, QA_ROWS_PER_STEP), :]
    out_ref[...] = qa_rows[:, None, :] + qb_ref[...][None, :, :]


def _build_table(es, W, b2):
    in_specs = []
    for t in range(8):
        in_specs.append(pl.BlockSpec((VOCABS[t], WIDTHS[t]), lambda i: (0, 0)))
    in_specs.append(pl.BlockSpec((104, 128), lambda i: (0, 0)))
    in_specs.append(pl.BlockSpec((1, 128), lambda i: (0, 0)))
    return pl.pallas_call(
        _table_body,
        grid=(NA // QA_ROWS_PER_STEP,),
        in_specs=in_specs,
        out_specs=pl.BlockSpec((QA_ROWS_PER_STEP, NB_, 128), lambda i: (i, 0, 0)),
        out_shape=jax.ShapeDtypeStruct((NA, NB_, 128), jnp.float32),
        scratch_shapes=[pltpu.VMEM((NA, 128), jnp.float32),
                        pltpu.VMEM((NB_, 128), jnp.float32)],
        compiler_params=pltpu.CompilerParams(
            dimension_semantics=("arbitrary",)),
    )(*es, W, b2)


IDX_TR = 1024


def _idx_body(tok_ref, out_ref):
    tokf = tok_ref[...].astype(jnp.float32)
    l = lax.broadcasted_iota(jnp.int32, (1600, 200), 0)
    t2 = lax.broadcasted_iota(jnp.int32, (1600, 200), 1)
    seg = (l // 8 == t2)
    sl = l % 8
    idxf = jnp.zeros((IDX_TR, 200), jnp.float32)
    for mask in (~0x3F, 0x3F):
        sv = jnp.zeros((1600, 200), jnp.float32)
        for t in range(8):
            part = float(STRIDES[t] & mask)
            sv = jnp.where(seg & (sl == t), part, sv)
        idxf = idxf + jnp.dot(tokf, sv, preferred_element_type=jnp.float32)
    out_ref[...] = (idxf + 0.5).astype(jnp.int32)


def _build_idx(tok16):
    return pl.pallas_call(
        _idx_body,
        grid=(B // IDX_TR,),
        in_specs=[pl.BlockSpec((IDX_TR, 1600), lambda i: (i, 0))],
        out_specs=pl.BlockSpec((IDX_TR, 200), lambda i: (i, 0)),
        out_shape=jax.ShapeDtypeStruct((B, 200), jnp.int32),
    )(tok16)


NC, NS = 2, 16
NW = NC * NS
TOK_PER_W = BS // NW
GTOK = 400
GSUB = 5
GROWS = GTOK // GSUB
NG = TOK_PER_W // GTOK


def _sc_body(bt_hbm, idx_hbm, out_hbm, idx_v, buf_a, buf_b,
             sg_a, sg_b, so_a, so_b):
    bufs = [buf_a, buf_b]
    sg = [sg_a, sg_b]
    so = [so_a, so_b]
    wid = lax.axis_index("s") * NC + lax.axis_index("c")
    tok0 = wid * TOK_PER_W

    def gather_start(g, p):
        for j in range(GSUB):
            pltpu.make_async_copy(
                bt_hbm.at[idx_v.at[pl.ds(g * GTOK + j * GROWS, GROWS)]],
                bufs[p].at[pl.ds(j * GROWS, GROWS), :], sg[p]).start()

    def gather_wait(g, p):
        for j in range(GSUB):
            pltpu.make_async_copy(
                bt_hbm.at[idx_v.at[pl.ds(g * GTOK + j * GROWS, GROWS)]],
                bufs[p].at[pl.ds(j * GROWS, GROWS), :], sg[p]).wait()

    class _G:
        def __init__(self, g, p):
            self.g, self.p = g, p

        def start(self):
            gather_start(self.g, self.p)

        def wait(self):
            gather_wait(self.g, self.p)

    def gather_copy(g, p):
        return _G(g, p)

    def out_copy(g, p):
        return pltpu.make_async_copy(
            bufs[p], out_hbm.at[pl.ds(tok0 + g * GTOK, GTOK), :], so[p])

    pltpu.sync_copy(idx_hbm.at[pl.ds(tok0, TOK_PER_W)], idx_v)

    gather_copy(0, 0).start()

    def grp_body(i, carry):
        for p in range(2):
            g = i * 2 + p
            if p == 0:
                @pl.when(i > 0)
                def _other_free():
                    out_copy(g - 1, 1).wait()
                gather_copy(g + 1, 1).start()
            else:
                out_copy(g - 1, 0).wait()

                @pl.when(i < NG // 2 - 1)
                def _fire_next():
                    gather_copy(g + 1, 0).start()
            gather_copy(g, p).wait()
            out_copy(g, p).start()
        return carry

    lax.fori_loop(0, NG // 2, grp_body, 0)
    out_copy(NG - 1, 1).wait()


def _sc_gather(bt, idx1):
    mesh = plsc.VectorSubcoreMesh(core_axis_name="c", subcore_axis_name="s",
                                  num_cores=NC, num_subcores=NS)
    return pl.kernel(
        _sc_body,
        out_type=jax.ShapeDtypeStruct((BS, 128), jnp.float32),
        mesh=mesh,
        scratch_types=[pltpu.VMEM((TOK_PER_W,), jnp.int32),
                       pltpu.VMEM((GTOK, 128), jnp.float32),
                       pltpu.VMEM((GTOK, 128), jnp.float32),
                       pltpu.SemaphoreType.DMA,
                       pltpu.SemaphoreType.DMA,
                       pltpu.SemaphoreType.DMA,
                       pltpu.SemaphoreType.DMA],
    )(bt, idx1)


def kernel(tokens, E0, E1, E2, E3, E4, E5, E6, E7, W, b):
    es = [E0, E1, E2, E3, E4, E5, E6, E7]
    bt = _build_table(es, W, b.reshape(1, 128)).reshape(NA * NB_, 128)
    idx = _build_idx(tokens.reshape(B, S * 8)).reshape(BS)
    out = _sc_gather(bt, idx)
    return out.reshape(B, S, 128)

# --- scband reference (transcript-rebuilt; emitter-appended) ---
"""Pipeline reference for scband-zeb-embeddings-83279415870170 (READ-ONLY COPY).

The authoritative reference and input builder live on the scoring server;
editing this copy changes nothing except your own understanding.
"""

import jax, jax.numpy as jnp
import numpy as np

B, S = 4096, 200
EMBED_DIM = 128
BASE = EMBED_DIM // 8  # 16
HALF = BASE // 2       # 8
TABLE_SHAPES = [(7, BASE), (7, BASE), (2, HALF), (3, HALF), (4, BASE), (2, HALF), (10, BASE), (3, BASE)]
TOTAL_DIM = BASE * 5 + HALF * 3  # 104


def setup_inputs(seed: int = 0) -> dict:
    key = jax.random.key(seed)
    ks = jax.random.split(key, 12)
    # fill_max=2 keeps indices valid for every table (smallest vocab is 2)
    tokens = jax.random.randint(ks[0], (B, S, 8), 0, 2).astype(jnp.int32)
    inp = {"tokens": tokens}
    for i, shp in enumerate(TABLE_SHAPES):
        inp[f"E{i}"] = jax.random.normal(ks[1 + i], shp, dtype=jnp.float32)
    inp["W"] = jax.random.normal(ks[9], (TOTAL_DIM, EMBED_DIM), dtype=jnp.float32) * 0.05
    inp["b"] = jnp.zeros((EMBED_DIM,), dtype=jnp.float32)
    return inp


def reference(tokens, E0, E1, E2, E3, E4, E5, E6, E7, W, b):
    tables = [E0, E1, E2, E3, E4, E5, E6, E7]
    embeds = [jnp.take(tables[i], tokens[:, :, i], axis=0) for i in range(8)]
    x = jnp.concatenate(embeds, axis=-1)  # [B, S, TOTAL_DIM]
    return x @ W + b  # [B, S, EMBED_DIM]

if __name__ == "__main__":
    import jax
    _d = setup_inputs()
    print(jax.jit(kernel)(*tuple(_d.values())))

</pallas_src>

<mosaic_0001>
#map = affine_map<(d0, d1) -> (0, 0)>
#map1 = affine_map<(d0, d1) -> (0)>
module attributes {stable_mosaic.version = 14 : i64} {
  func.func @_sc_body(%arg0: i32, %arg1: i32, %arg2: memref<70560x128xf32, #tpu.memory_space<hbm>>, %arg3: memref<819200xi32, #tpu.memory_space<hbm>>, %arg4: memref<819200x128xf32, #tpu.memory_space<hbm>>, %arg5: memref<25600xi32, #tpu.memory_space<vmem>>, %arg6: memref<400x128xf32, #tpu.memory_space<vmem>>, %arg7: memref<400x128xf32, #tpu.memory_space<vmem>>, %arg8: memref<!tpu.dma_semaphore, #tpu.memory_space<semaphore_mem>>, %arg9: memref<!tpu.dma_semaphore, #tpu.memory_space<semaphore_mem>>, %arg10: memref<!tpu.dma_semaphore, #tpu.memory_space<semaphore_mem>>, %arg11: memref<!tpu.dma_semaphore, #tpu.memory_space<semaphore_mem>>) attributes {dimension_semantics = [#tpu.dimension_semantics<core_parallel>, #tpu.dimension_semantics<subcore_parallel>], iteration_bounds = array<i64: 2, 16>, scalar_prefetch = 0 : i64, scratch_operands = 7 : i64, tpu.core_type = #tpu.core_type<sc_vector_subcore>, window_params = [{transform_indices = #map}, {transform_indices = #map1}, {transform_indices = #map}]} {
    %mul3A = arith.constant 2 : i32
    %mul3A_0 = arith.muli %arg1, %mul3A : i32
    %add3A = arith.addi %mul3A_0, %arg0 : i32
    %mul3A_1 = arith.constant 25600 : i32
    %mul3A_2 = arith.muli %add3A, %mul3A_1 : i32
    "tpu.region"() ({
      %run_scoped3A = tpu.sem_alloc : memref<!tpu.dma_semaphore, #tpu.memory_space<semaphore_mem>>
      %dma_start3A_52 = tpu.memref_slice %arg3[%mul3A_2] : memref<819200xi32, #tpu.memory_space<hbm>> -> memref<25600xi32, #tpu.memory_space<hbm>>
      %dma_start3A_53 = tpu.memref_slice %arg3[%mul3A_2] : memref<819200xi32, #tpu.memory_space<hbm>> -> memref<25600xi32, #tpu.memory_space<hbm>>
      tpu.enqueue_dma source(%dma_start3A_53 : memref<25600xi32, #tpu.memory_space<hbm>>) target(%arg5 : memref<25600xi32, #tpu.memory_space<vmem>>) target_semaphore(%run_scoped3A : memref<!tpu.dma_semaphore, #tpu.memory_space<semaphore_mem>>)
      %dma_wait3A_54 = tpu.memref_slice %arg3[%mul3A_2] : memref<819200xi32, #tpu.memory_space<hbm>> -> memref<25600xi32, #tpu.memory_space<hbm>>
      %dma_wait3A_55 = tpu.memref_slice %arg3[%mul3A_2] : memref<819200xi32, #tpu.memory_space<hbm>> -> memref<25600xi32, #tpu.memory_space<hbm>>
      tpu.wait_dma2 semaphore(%run_scoped3A : memref<!tpu.dma_semaphore, #tpu.memory_space<semaphore_mem>>) src(%dma_wait3A_55 : memref<25600xi32, #tpu.memory_space<hbm>>) dst(%arg5 : memref<25600xi32, #tpu.memory_space<vmem>>)
      tpu.yield
    }) : () -> ()
    %dma_start3A = arith.constant 0 : i32
    %dma_start3A_3 = arith.constant 0 : i32
    %dma_start3A_4 = tpu.memref_slice %arg6[%dma_start3A, %dma_start3A_3] : memref<400x128xf32, #tpu.memory_space<vmem>> -> memref<80x128xf32, #tpu.memory_space<vmem>>
    %dma_start3A_5 = arith.constant 0 : i32
    %dma_start3A_6 = tpu.memref_slice %arg5[%dma_start3A_5] : memref<25600xi32, #tpu.memory_space<vmem>> -> memref<80xi32, #tpu.memory_space<vmem>>
    %dma_start3A_7 = arith.constant 0 : i32
    %dma_start3A_8 = arith.constant 0 : i32
    %dma_start3A_9 = tpu.memref_slice %arg2[%dma_start3A_7, %dma_start3A_8] : memref<70560x128xf32, #tpu.memory_space<hbm>> -> memref<70560x128xf32, #tpu.memory_space<hbm>>
    tpu.enqueue_indirect_dma source(%dma_start3A_9 : memref<70560x128xf32, #tpu.memory_space<hbm>>) target(%dma_start3A_4 : memref<80x128xf32, #tpu.memory_space<vmem>>) offsets(%dma_start3A_6 : memref<80xi32, #tpu.memory_space<vmem>>) semaphore(%arg8 : memref<!tpu.dma_semaphore, #tpu.memory_space<semaphore_mem>>)
    %dma_start3A_10 = arith.constant 80 : i32
    %dma_start3A_11 = arith.constant 0 : i32
    %dma_start3A_12 = tpu.memref_slice %arg6[%dma_start3A_10, %dma_start3A_11] : memref<400x128xf32, #tpu.memory_space<vmem>> -> memref<80x128xf32, #tpu.memory_space<vmem>>
    %dma_start3A_13 = arith.constant 80 : i32
    %dma_start3A_14 = tpu.memref_slice %arg5[%dma_start3A_13] : memref<25600xi32, #tpu.memory_space<vmem>> -> memref<80xi32, #tpu.memory_space<vmem>>
    %dma_start3A_15 = arith.constant 0 : i32
    %dma_start3A_16 = arith.constant 0 : i32
    %dma_start3A_17 = tpu.memref_slice %arg2[%dma_start3A_15, %dma_start3A_16] : memref<70560x128xf32, #tpu.memory_space<hbm>> -> memref<70560x128xf32, #tpu.memory_space<hbm>>
    tpu.enqueue_indirect_dma source(%dma_start3A_17 : memref<70560x128xf32, #tpu.memory_space<hbm>>) target(%dma_start3A_12 : memref<80x128xf32, #tpu.memory_space<vmem>>) offsets(%dma_start3A_14 : memref<80xi32, #tpu.memory_space<vmem>>) semaphore(%arg8 : memref<!tpu.dma_semaphore, #tpu.memory_space<semaphore_mem>>)
    %dma_start3A_18 = arith.constant 160 : i32
    %dma_start3A_19 = arith.constant 0 : i32
    %dma_start3A_20 = tpu.memref_slice %arg6[%dma_start3A_18, %dma_start3A_19] : memref<400x128xf32, #tpu.memory_space<vmem>> -> memref<80x128xf32, #tpu.memory_space<vmem>>
    %dma_start3A_21 = arith.constant 160 : i32
    %dma_start3A_22 = tpu.memref_slice %arg5[%dma_start3A_21] : memref<25600xi32, #tpu.memory_space<vmem>> -> memref<80xi32, #tpu.memory_space<vmem>>
    %dma_start3A_23 = arith.constant 0 : i32
    %dma_start3A_24 = arith.constant 0 : i32
    %dma_start3A_25 = tpu.memref_slice %arg2[%dma_start3A_23, %dma_start3A_24] : memref<70560x128xf32, #tpu.memory_space<hbm>> -> memref<70560x128xf32, #tpu.memory_space<hbm>>
    tpu.enqueue_indirect_dma source(%dma_start3A_25 : memref<70560x128xf32, #tpu.memory_space<hbm>>) target(%dma_start3A_20 : memref<80x128xf32, #tpu.memory_space<vmem>>) offsets(%dma_start3A_22 : memref<80xi32, #tpu.memory_space<vmem>>) semaphore(%arg8 : memref<!tpu.dma_semaphore, #tpu.memory_space<semaphore_mem>>)
    %dma_start3A_26 = arith.constant 240 : i32
    %dma_start3A_27 = arith.constant 0 : i32
    %dma_start3A_28 = tpu.memref_slice %arg6[%dma_start3A_26, %dma_start3A_27] : memref<400x128xf32, #tpu.memory_space<vmem>> -> memref<80x128xf32, #tpu.memory_space<vmem>>
    %dma_start3A_29 = arith.constant 240 : i32
    %dma_start3A_30 = tpu.memref_slice %arg5[%dma_start3A_29] : memref<25600xi32, #tpu.memory_space<vmem>> -> memref<80xi32, #tpu.memory_space<vmem>>
    %dma_start3A_31 = arith.constant 0 : i32
    %dma_start3A_32 = arith.constant 0 : i32
    %dma_start3A_33 = tpu.memref_slice %arg2[%dma_start3A_31, %dma_start3A_32] : memref<70560x128xf32, #tpu.memory_space<hbm>> -> memref<70560x128xf32, #tpu.memory_space<hbm>>
    tpu.enqueue_indirect_dma source(%dma_start3A_33 : memref<70560x128xf32, #tpu.memory_space<hbm>>) target(%dma_start3A_28 : memref<80x128xf32, #tpu.memory_space<vmem>>) offsets(%dma_start3A_30 : memref<80xi32, #tpu.memory_space<vmem>>) semaphore(%arg8 : memref<!tpu.dma_semaphore, #tpu.memory_space<semaphore_mem>>)
    %dma_start3A_34 = arith.constant 320 : i32
    %dma_start3A_35 = arith.constant 0 : i32
    %dma_start3A_36 = tpu.memref_slice %arg6[%dma_start3A_34, %dma_start3A_35] : memref<400x128xf32, #tpu.memory_space<vmem>> -> memref<80x128xf32, #tpu.memory_space<vmem>>
    %dma_start3A_37 = arith.constant 320 : i32
    %dma_start3A_38 = tpu.memref_slice %arg5[%dma_start3A_37] : memref<25600xi32, #tpu.memory_space<vmem>> -> memref<80xi32, #tpu.memory_space<vmem>>
    %dma_start3A_39 = arith.constant 0 : i32
    %dma_start3A_40 = arith.constant 0 : i32
    %dma_start3A_41 = tpu.memref_slice %arg2[%dma_start3A_39, %dma_start3A_40] : memref<70560x128xf32, #tpu.memory_space<hbm>> -> memref<70560x128xf32, #tpu.memory_space<hbm>>
    tpu.enqueue_indirect_dma source(%dma_start3A_41 : memref<70560x128xf32, #tpu.memory_space<hbm>>) target(%dma_start3A_36 : memref<80x128xf32, #tpu.memory_space<vmem>>) offsets(%dma_start3A_38 : memref<80xi32, #tpu.memory_space<vmem>>) semaphore(%arg8 : memref<!tpu.dma_semaphore, #tpu.memory_space<semaphore_mem>>)
    %scan3A = arith.constant 0 : i32
    %scan3A_42 = arith.constant 0 : i32
    %scan3A_43 = arith.constant 32 : i32
    %scan3A_44 = arith.addi %scan3A_42, %scan3A_43 : i32
    %scan3A_45 = arith.constant 1 : i32
    scf.for %scan3A_52 = %scan3A_42 to %scan3A_44 step %scan3A_45  : i32 {
      %mul3A_53 = arith.constant 2 : i32
      %mul3A_54 = arith.muli %scan3A_52, %mul3A_53 : i32
      %add3A_55 = arith.constant 0 : i32
      %add3A_56 = arith.addi %mul3A_54, %add3A_55 : i32
      %gt3A = arith.constant 0 : i32
      %gt3A_57 = arith.cmpi sgt, %scan3A_52, %gt3A : i32
      %convert_element_type3A = arith.extui %gt3A_57 : i1 to i32
      %cond3A = arith.constant 0 : i32
      %cond3A_58 = arith.cmpi ne, %convert_element_type3A, %cond3A : i32
      scf.if %cond3A_58 {
        %sub3A_256 = arith.constant 1 : i32
        %sub3A_257 = arith.subi %add3A_56, %sub3A_256 : i32
        %mul3A_258 = arith.constant 400 : i32
        %mul3A_259 = arith.muli %sub3A_257, %mul3A_258 : i32
        %add3A_260 = arith.addi %mul3A_2, %mul3A_259 : i32
        %dma_wait3A_261 = arith.constant 0 : i32
        %dma_wait3A_262 = tpu.memref_slice %arg4[%add3A_260, %dma_wait3A_261] : memref<819200x128xf32, #tpu.memory_space<hbm>> -> memref<400x128xf32, #tpu.memory_space<hbm>>
        %dma_wait3A_263 = arith.constant 0 : i32
        %dma_wait3A_264 = tpu.memref_slice %arg4[%add3A_260, %dma_wait3A_263] : memref<819200x128xf32, #tpu.memory_space<hbm>> -> memref<400x128xf32, #tpu.memory_space<hbm>>
        tpu.wait_dma2 semaphore(%arg11 : memref<!tpu.dma_semaphore, #tpu.memory_space<semaphore_mem>>) src(%arg7 : memref<400x128xf32, #tpu.memory_space<vmem>>) dst(%dma_wait3A_264 : memref<400x128xf32, #tpu.memory_space<hbm>>)
      } else {
      }
      %add3A_59 = arith.constant 1 : i32
      %add3A_60 = arith.addi %add3A_56, %add3A_59 : i32
      %mul3A_61 = arith.constant 400 : i32
      %mul3A_62 = arith.muli %add3A_60, %mul3A_61 : i32
      %add3A_63 = arith.constant 0 : i32
      %add3A_64 = arith.addi %mul3A_62, %add3A_63 : i32
      %dma_start3A_65 = arith.constant 0 : i32
      %dma_start3A_66 = arith.constant 0 : i32
      %dma_start3A_67 = tpu.memref_slice %arg7[%dma_start3A_65, %dma_start3A_66] : memref<400x128xf32, #tpu.memory_space<vmem>> -> memref<80x128xf32, #tpu.memory_space<vmem>>
      %dma_start3A_68 = tpu.memref_slice %arg5[%add3A_64] : memref<25600xi32, #tpu.memory_space<vmem>> -> memref<80xi32, #tpu.memory_space<vmem>>
      %dma_start3A_69 = arith.constant 0 : i32
      %dma_start3A_70 = arith.constant 0 : i32
      %dma_start3A_71 = tpu.memref_slice %arg2[%dma_start3A_69, %dma_start3A_70] : memref<70560x128xf32, #tpu.memory_space<hbm>> -> memref<70560x128xf32, #tpu.memory_space<hbm>>
      tpu.enqueue_indirect_dma source(%dma_start3A_71 : memref<70560x128xf32, #tpu.memory_space<hbm>>) target(%dma_start3A_67 : memref<80x128xf32, #tpu.memory_space<vmem>>) offsets(%dma_start3A_68 : memref<80xi32, #tpu.memory_space<vmem>>) semaphore(%arg9 : memref<!tpu.dma_semaphore, #tpu.memory_space<semaphore_mem>>)
      %mul3A_72 = arith.constant 400 : i32
      %mul3A_73 = arith.muli %add3A_60, %mul3A_72 : i32
      %add3A_74 = arith.constant 80 : i32
      %add3A_75 = arith.addi %mul3A_73, %add3A_74 : i32
      %dma_start3A_76 = arith.constant 80 : i32
      %dma_start3A_77 = arith.constant 0 : i32
      %dma_start3A_78 = tpu.memref_slice %arg7[%dma_start3A_76, %dma_start3A_77] : memref<400x128xf32, #tpu.memory_space<vmem>> -> memref<80x128xf32, #tpu.memory_space<vmem>>
      %dma_start3A_79 = tpu.memref_slice %arg5[%add3A_75] : memref<25600xi32, #tpu.memory_space<vmem>> -> memref<80xi32, #tpu.memory_space<vmem>>
      %dma_start3A_80 = arith.constant 0 : i32
      %dma_start3A_81 = arith.constant 0 : i32
      %dma_start3A_82 = tpu.memref_slice %arg2[%dma_start3A_80, %dma_start3A_81] : memref<70560x128xf32, #tpu.memory_space<hbm>> -> memref<70560x128xf32, #tpu.memory_space<hbm>>
      tpu.enqueue_indirect_dma source(%dma_start3A_82 : memref<70560x128xf32, #tpu.memory_space<hbm>>) target(%dma_start3A_78 : memref<80x128xf32, #tpu.memory_space<vmem>>) offsets(%dma_start3A_79 : memref<80xi32, #tpu.memory_space<vmem>>) semaphore(%arg9 : memref<!tpu.dma_semaphore, #tpu.memory_space<semaphore_mem>>)
      %mul3A_83 = arith.constant 400 : i32
      %mul3A_84 = arith.muli %add3A_60, %mul3A_83 : i32
      %add3A_85 = arith.constant 160 : i32
      %add3A_86 = arith.addi %mul3A_84, %add3A_85 : i32
      %dma_start3A_87 = arith.constant 160 : i32
      %dma_start3A_88 = arith.constant 0 : i32
      %dma_start3A_89 = tpu.memref_slice %arg7[%dma_start3A_87, %dma_start3A_88] : memref<400x128xf32, #tpu.memory_space<vmem>> -> memref<80x128xf32, #tpu.memory_space<vmem>>
      %dma_start3A_90 = tpu.memref_slice %arg5[%add3A_86] : memref<25600xi32, #tpu.memory_space<vmem>> -> memref<80xi32, #tpu.memory_space<vmem>>
      %dma_start3A_91 = arith.constant 0 : i32
      %dma_start3A_92 = arith.constant 0 : i32
      %dma_start3A_93 = tpu.memref_slice %arg2[%dma_start3A_91, %dma_start3A_92] : memref<70560x128xf32, #tpu.memory_space<hbm>> -> memref<70560x128xf32, #tpu.memory_space<hbm>>
      tpu.enqueue_indirect_dma source(%dma_start3A_93 : memref<70560x128xf32, #tpu.memory_space<hbm>>) target(%dma_start3A_89 : memref<80x128xf32, #tpu.memory_space<vmem>>) offsets(%dma_start3A_90 : memref<80xi32, #tpu.memory_space<vmem>>) semaphore(%arg9 : memref<!tpu.dma_semaphore, #tpu.memory_space<semaphore_mem>>)
      %mul3A_94 = arith.constant 400 : i32
      %mul3A_95 = arith.muli %add3A_60, %mul3A_94 : i32
      %add3A_96 = arith.constant 240 : i32
      %add3A_97 = arith.addi %mul3A_95, %add3A_96 : i32
      %dma_start3A_98 = arith.constant 240 : i32
      %dma_start3A_99 = arith.constant 0 : i32
      %dma_start3A_100 = tpu.memref_slice %arg7[%dma_start3A_98, %dma_start3A_99] : memref<400x128xf32, #tpu.memory_space<vmem>> -> memref<80x128xf32, #tpu.memory_space<vmem>>
      %dma_start3A_101 = tpu.memref_slice %arg5[%add3A_97] : memref<25600xi32, #tpu.memory_space<vmem>> -> memref<80xi32, #tpu.memory_space<vmem>>
      %dma_start3A_102 = arith.constant 0 : i32
      %dma_start3A_103 = arith.constant 0 : i32
      %dma_start3A_104 = tpu.memref_slice %arg2[%dma_start3A_102, %dma_start3A_103] : memref<70560x128xf32, #tpu.memory_space<hbm>> -> memref<70560x128xf32, #tpu.memory_space<hbm>>
      tpu.enqueue_indirect_dma source(%dma_start3A_104 : memref<70560x128xf32, #tpu.memory_space<hbm>>) target(%dma_start3A_100 : memref<80x128xf32, #tpu.memory_space<vmem>>) offsets(%dma_start3A_101 : memref<80xi32, #tpu.memory_space<vmem>>) semaphore(%arg9 : memref<!tpu.dma_semaphore, #tpu.memory_space<semaphore_mem>>)
      %mul3A_105 = arith.constant 400 : i32
      %mul3A_106 = arith.muli %add3A_60, %mul3A_105 : i32
      %add3A_107 = arith.constant 320 : i32
      %add3A_108 = arith.addi %mul3A_106, %add3A_107 : i32
      %dma_start3A_109 = arith.constant 320 : i32
      %dma_start3A_110 = arith.constant 0 : i32
      %dma_start3A_111 = tpu.memref_slice %arg7[%dma_start3A_109, %dma_start3A_110] : memref<400x128xf32, #tpu.memory_space<vmem>> -> memref<80x128xf32, #tpu.memory_space<vmem>>
      %dma_start3A_112 = tpu.memref_slice %arg5[%add3A_108] : memref<25600xi32, #tpu.memory_space<vmem>> -> memref<80xi32, #tpu.memory_space<vmem>>
      %dma_start3A_113 = arith.constant 0 : i32
      %dma_start3A_114 = arith.constant 0 : i32
      %dma_start3A_115 = tpu.memref_slice %arg2[%dma_start3A_113, %dma_start3A_114] : memref<70560x128xf32, #tpu.memory_space<hbm>> -> memref<70560x128xf32, #tpu.memory_space<hbm>>
      tpu.enqueue_indirect_dma source(%dma_start3A_115 : memref<70560x128xf32, #tpu.memory_space<hbm>>) target(%dma_start3A_111 : memref<80x128xf32, #tpu.memory_space<vmem>>) offsets(%dma_start3A_112 : memref<80xi32, #tpu.memory_space<vmem>>) semaphore(%arg9 : memref<!tpu.dma_semaphore, #tpu.memory_space<semaphore_mem>>)
      %mul3A_116 = arith.constant 400 : i32
      %mul3A_117 = arith.muli %add3A_56, %mul3A_116 : i32
      %add3A_118 = arith.constant 0 : i32
      %add3A_119 = arith.addi %mul3A_117, %add3A_118 : i32
      %dma_wait3A_120 = arith.constant 0 : i32
      %dma_wait3A_121 = arith.constant 0 : i32
      %dma_wait3A_122 = tpu.memref_slice %arg6[%dma_wait3A_120, %dma_wait3A_121] : memref<400x128xf32, #tpu.memory_space<vmem>> -> memref<80x128xf32, #tpu.memory_space<vmem>>
      %dma_wait3A_123 = tpu.memref_slice %arg5[%add3A_119] : memref<25600xi32, #tpu.memory_space<vmem>> -> memref<80xi32, #tpu.memory_space<vmem>>
      %dma_wait3A_124 = arith.constant 0 : i32
      %dma_wait3A_125 = arith.constant 0 : i32
      %dma_wait3A_126 = tpu.memref_slice %arg2[%dma_wait3A_124, %dma_wait3A_125] : memref<70560x128xf32, #tpu.memory_space<hbm>> -> memref<70560x128xf32, #tpu.memory_space<hbm>>
      tpu.wait_indirect_dma semaphore(%arg8 : memref<!tpu.dma_semaphore, #tpu.memory_space<semaphore_mem>>) src(%dma_wait3A_126 : memref<70560x128xf32, #tpu.memory_space<hbm>>) dst(%dma_wait3A_122 : memref<80x128xf32, #tpu.memory_space<vmem>>)
      %mul3A_127 = arith.constant 400 : i32
      %mul3A_128 = arith.muli %add3A_56, %mul3A_127 : i32
      %add3A_129 = arith.constant 80 : i32
      %add3A_130 = arith.addi %mul3A_128, %add3A_129 : i32
      %dma_wait3A_131 = arith.constant 80 : i32
      %dma_wait3A_132 = arith.constant 0 : i32
      %dma_wait3A_133 = tpu.memref_slice %arg6[%dma_wait3A_131, %dma_wait3A_132] : memref<400x128xf32, #tpu.memory_space<vmem>> -> memref<80x128xf32, #tpu.memory_space<vmem>>
      %dma_wait3A_134 = tpu.memref_slice %arg5[%add3A_130] : memref<25600xi32, #tpu.memory_space<vmem>> -> memref<80xi32, #tpu.memory_space<vmem>>
      %dma_wait3A_135 = arith.constant 0 : i32
      %dma_wait3A_136 = arith.constant 0 : i32
      %dma_wait3A_137 = tpu.memref_slice %arg2[%dma_wait3A_135, %dma_wait3A_136] : memref<70560x128xf32, #tpu.memory_space<hbm>> -> memref<70560x128xf32, #tpu.memory_space<hbm>>
      tpu.wait_indirect_dma semaphore(%arg8 : memref<!tpu.dma_semaphore, #tpu.memory_space<semaphore_mem>>) src(%dma_wait3A_137 : memref<70560x128xf32, #tpu.memory_space<hbm>>) dst(%dma_wait3A_133 : memref<80x128xf32, #tpu.memory_space<vmem>>)
      %mul3A_138 = arith.constant 400 : i32
      %mul3A_139 = arith.muli %add3A_56, %mul3A_138 : i32
      %add3A_140 = arith.constant 160 : i32
      %add3A_141 = arith.addi %mul3A_139, %add3A_140 : i32
      %dma_wait3A_142 = arith.constant 160 : i32
      %dma_wait3A_143 = arith.constant 0 : i32
      %dma_wait3A_144 = tpu.memref_slice %arg6[%dma_wait3A_142, %dma_wait3A_143] : memref<400x128xf32, #tpu.memory_space<vmem>> -> memref<80x128xf32, #tpu.memory_space<vmem>>
      %dma_wait3A_145 = tpu.memref_slice %arg5[%add3A_141] : memref<25600xi32, #tpu.memory_space<vmem>> -> memref<80xi32, #tpu.memory_space<vmem>>
      %dma_wait3A_146 = arith.constant 0 : i32
      %dma_wait3A_147 = arith.constant 0 : i32
      %dma_wait3A_148 = tpu.memref_slice %arg2[%dma_wait3A_146, %dma_wait3A_147] : memref<70560x128xf32, #tpu.memory_space<hbm>> -> memref<70560x128xf32, #tpu.memory_space<hbm>>
      tpu.wait_indirect_dma semaphore(%arg8 : memref<!tpu.dma_semaphore, #tpu.memory_space<semaphore_mem>>) src(%dma_wait3A_148 : memref<70560x128xf32, #tpu.memory_space<hbm>>) dst(%dma_wait3A_144 : memref<80x128xf32, #tpu.memory_space<vmem>>)
      %mul3A_149 = arith.constant 400 : i32
      %mul3A_150 = arith.muli %add3A_56, %mul3A_149 : i32
      %add3A_151 = arith.constant 240 : i32
      %add3A_152 = arith.addi %mul3A_150, %add3A_151 : i32
      %dma_wait3A_153 = arith.constant 240 : i32
      %dma_wait3A_154 = arith.constant 0 : i32
      %dma_wait3A_155 = tpu.memref_slice %arg6[%dma_wait3A_153, %dma_wait3A_154] : memref<400x128xf32, #tpu.memory_space<vmem>> -> memref<80x128xf32, #tpu.memory_space<vmem>>
      %dma_wait3A_156 = tpu.memref_slice %arg5[%add3A_152] : memref<25600xi32, #tpu.memory_space<vmem>> -> memref<80xi32, #tpu.memory_space<vmem>>
      %dma_wait3A_157 = arith.constant 0 : i32
      %dma_wait3A_158 = arith.constant 0 : i32
      %dma_wait3A_159 = tpu.memref_slice %arg2[%dma_wait3A_157, %dma_wait3A_158] : memref<70560x128xf32, #tpu.memory_space<hbm>> -> memref<70560x128xf32, #tpu.memory_space<hbm>>
      tpu.wait_indirect_dma semaphore(%arg8 : memref<!tpu.dma_semaphore, #tpu.memory_space<semaphore_mem>>) src(%dma_wait3A_159 : memref<70560x128xf32, #tpu.memory_space<hbm>>) dst(%dma_wait3A_155 : memref<80x128xf32, #tpu.memory_space<vmem>>)
      %mul3A_160 = arith.constant 400 : i32
      %mul3A_161 = arith.muli %add3A_56, %mul3A_160 : i32
      %add3A_162 = arith.constant 320 : i32
      %add3A_163 = arith.addi %mul3A_161, %add3A_162 : i32
      %dma_wait3A_164 = arith.constant 320 : i32
      %dma_wait3A_165 = arith.constant 0 : i32
      %dma_wait3A_166 = tpu.memref_slice %arg6[%dma_wait3A_164, %dma_wait3A_165] : memref<400x128xf32, #tpu.memory_space<vmem>> -> memref<80x128xf32, #tpu.memory_space<vmem>>
      %dma_wait3A_167 = tpu.memref_slice %arg5[%add3A_163] : memref<25600xi32, #tpu.memory_space<vmem>> -> memref<80xi32, #tpu.memory_space<vmem>>
      %dma_wait3A_168 = arith.constant 0 : i32
      %dma_wait3A_169 = arith.constant 0 : i32
      %dma_wait3A_170 = tpu.memref_slice %arg2[%dma_wait3A_168, %dma_wait3A_169] : memref<70560x128xf32, #tpu.memory_space<hbm>> -> memref<70560x128xf32, #tpu.memory_space<hbm>>
      tpu.wait_indirect_dma semaphore(%arg8 : memref<!tpu.dma_semaphore, #tpu.memory_space<semaphore_mem>>) src(%dma_wait3A_170 : memref<70560x128xf32, #tpu.memory_space<hbm>>) dst(%dma_wait3A_166 : memref<80x128xf32, #tpu.memory_space<vmem>>)
      %mul3A_171 = arith.constant 400 : i32
      %mul3A_172 = arith.muli %add3A_56, %mul3A_171 : i32
      %add3A_173 = arith.addi %mul3A_2, %mul3A_172 : i32
      %dma_start3A_174 = arith.constant 0 : i32
      %dma_start3A_175 = tpu.memref_slice %arg4[%add3A_173, %dma_start3A_174] : memref<819200x128xf32, #tpu.memory_space<hbm>> -> memref<400x128xf32, #tpu.memory_space<hbm>>
      %dma_start3A_176 = arith.constant 0 : i32
      %dma_start3A_177 = tpu.memref_slice %arg4[%add3A_173, %dma_start3A_176] : memref<819200x128xf32, #tpu.memory_space<hbm>> -> memref<400x128xf32, #tpu.memory_space<hbm>>
      tpu.enqueue_dma source(%arg6 : memref<400x128xf32, #tpu.memory_space<vmem>>) target(%dma_start3A_177 : memref<400x128xf32, #tpu.memory_space<hbm>>) target_semaphore(%arg10 : memref<!tpu.dma_semaphore, #tpu.memory_space<semaphore_mem>>)
      %mul3A_178 = arith.constant 2 : i32
      %mul3A_179 = arith.muli %scan3A_52, %mul3A_178 : i32
      %add3A_180 = arith.constant 1 : i32
      %add3A_181 = arith.addi %mul3A_179, %add3A_180 : i32
      %sub3A = arith.constant 1 : i32
      %sub3A_182 = arith.subi %add3A_181, %sub3A : i32
      %mul3A_183 = arith.constant 400 : i32
      %mul3A_184 = arith.muli %sub3A_182, %mul3A_183 : i32
      %add3A_185 = arith.addi %mul3A_2, %mul3A_184 : i32
      %dma_wait3A_186 = arith.constant 0 : i32
      %dma_wait3A_187 = tpu.memref_slice %arg4[%add3A_185, %dma_wait3A_186] : memref<819200x128xf32, #tpu.memory_space<hbm>> -> memref<400x128xf32, #tpu.memory_space<hbm>>
      %dma_wait3A_188 = arith.constant 0 : i32
      %dma_wait3A_189 = tpu.memref_slice %arg4[%add3A_185, %dma_wait3A_188] : memref<819200x128xf32, #tpu.memory_space<hbm>> -> memref<400x128xf32, #tpu.memory_space<hbm>>
      tpu.wait_dma2 semaphore(%arg10 : memref<!tpu.dma_semaphore, #tpu.memory_space<semaphore_mem>>) src(%arg6 : memref<400x128xf32, #tpu.memory_space<vmem>>) dst(%dma_wait3A_189 : memref<400x128xf32, #tpu.memory_space<hbm>>)
      %lt3A = arith.constant 31 : i32
      %lt3A_190 = arith.cmpi slt, %scan3A_52, %lt3A : i32
      %convert_element_type3A_191 = arith.extui %lt3A_190 : i1 to i32
      %cond3A_192 = arith.constant 0 : i32
      %cond3A_193 = arith.cmpi ne, %convert_element_type3A_191, %cond3A_192 : i32
      scf.if %cond3A_193 {
        %add3A_256 = arith.constant 1 : i32
        %add3A_257 = arith.addi %add3A_181, %add3A_256 : i32
        %mul3A_258 = arith.constant 400 : i32
        %mul3A_259 = arith.muli %add3A_257, %mul3A_258 : i32
        %add3A_260 = arith.constant 0 : i32
        %add3A_261 = arith.addi %mul3A_259, %add3A_260 : i32
        %dma_start3A_262 = arith.constant 0 : i32
        %dma_start3A_263 = arith.constant 0 : i32
        %dma_start3A_264 = tpu.memref_slice %arg6[%dma_start3A_262, %dma_start3A_263] : memref<400x128xf32, #tpu.memory_space<vmem>> -> memref<80x128xf32, #tpu.memory_space<vmem>>
        %dma_start3A_265 = tpu.memref_slice %arg5[%add3A_261] : memref<25600xi32, #tpu.memory_space<vmem>> -> memref<80xi32, #tpu.memory_space<vmem>>
        %dma_start3A_266 = arith.constant 0 : i32
        %dma_start3A_267 = arith.constant 0 : i32
        %dma_start3A_268 = tpu.memref_slice %arg2[%dma_start3A_266, %dma_start3A_267] : memref<70560x128xf32, #tpu.memory_space<hbm>> -> memref<70560x128xf32, #tpu.memory_space<hbm>>
        tpu.enqueue_indirect_dma source(%dma_start3A_268 : memref<70560x128xf32, #tpu.memory_space<hbm>>) target(%dma_start3A_264 : memref<80x128xf32, #tpu.memory_space<vmem>>) offsets(%dma_start3A_265 : memref<80xi32, #tpu.memory_space<vmem>>) semaphore(%arg8 : memref<!tpu.dma_semaphore, #tpu.memory_space<semaphore_mem>>)
        %mul3A_269 = arith.constant 400 : i32
        %mul3A_270 = arith.muli %add3A_257, %mul3A_269 : i32
        %add3A_271 = arith.constant 80 : i32
        %add3A_272 = arith.addi %mul3A_270, %add3A_271 : i32
        %dma_start3A_273 = arith.constant 80 : i32
        %dma_start3A_274 = arith.constant 0 : i32
        %dma_start3A_275 = tpu.memref_slice %arg6[%dma_start3A_273, %dma_start3A_274] : memref<400x128xf32, #tpu.memory_space<vmem>> -> memref<80x128xf32, #tpu.memory_space<vmem>>
        %dma_start3A_276 = tpu.memref_slice %arg5[%add3A_272] : memref<25600xi32, #tpu.memory_space<vmem>> -> memref<80xi32, #tpu.memory_space<vmem>>
        %dma_start3A_277 = arith.constant 0 : i32
        %dma_start3A_278 = arith.constant 0 : i32
        %dma_start3A_279 = tpu.memref_slice %arg2[%dma_start3A_277, %dma_start3A_278] : memref<70560x128xf32, #tpu.memory_space<hbm>> -> memref<70560x128xf32, #tpu.memory_space<hbm>>
        tpu.enqueue_indirect_dma source(%dma_start3A_279 : memref<70560x128xf32, #tpu.memory_space<hbm>>) target(%dma_start3A_275 : memref<80x128xf32, #tpu.memory_space<vmem>>) offsets(%dma_start3A_276 : memref<80xi32, #tpu.memory_space<vmem>>) semaphore(%arg8 : memref<!tpu.dma_semaphore, #tpu.memory_space<semaphore_mem>>)
        %mul3A_280 = arith.constant 400 : i32
        %mul3A_281 = arith.muli %add3A_257, %mul3A_280 : i32
        %add3A_282 = arith.constant 160 : i32
        %add3A_283 = arith.addi %mul3A_281, %add3A_282 : i32
        %dma_start3A_284 = arith.constant 160 : i32
        %dma_start3A_285 = arith.constant 0 : i32
        %dma_start3A_286 = tpu.memref_slice %arg6[%dma_start3A_284, %dma_start3A_285] : memref<400x128xf32, #tpu.memory_space<vmem>> -> memref<80x128xf32, #tpu.memory_space<vmem>>
        %dma_start3A_287 = tpu.memref_slice %arg5[%add3A_283] : memref<25600xi32, #tpu.memory_space<vmem>> -> memref<80xi32, #tpu.memory_space<vmem>>
        %dma_start3A_288 = arith.constant 0 : i32
        %dma_start3A_289 = arith.constant 0 : i32
        %dma_start3A_290 = tpu.memref_slice %arg2[%dma_start3A_288, %dma_start3A_289] : memref<70560x128xf32, #tpu.memory_space<hbm>> -> memref<70560x128xf32, #tpu.memory_space<hbm>>
        tpu.enqueue_indirect_dma source(%dma_start3A_290 : memref<70560x128xf32, #tpu.memory_space<hbm>>) target(%dma_start3A_286 : memref<80x128xf32, #tpu.memory_space<vmem>>) offsets(%dma_start3A_287 : memref<80xi32, #tpu.memory_space<vmem>>) semaphore(%arg8 : memref<!tpu.dma_semaphore, #tpu.memory_space<semaphore_mem>>)
        %mul3A_291 = arith.constant 400 : i32
        %mul3A_292 = arith.muli %add3A_257, %mul3A_291 : i32
        %add3A_293 = arith.constant 240 : i32
        %add3A_294 = arith.addi %mul3A_292, %add3A_293 : i32
        %dma_start3A_295 = arith.constant 240 : i32
        %dma_start3A_296 = arith.constant 0 : i32
        %dma_start3A_297 = tpu.memref_slice %arg6[%dma_start3A_295, %dma_start3A_296] : memref<400x128xf32, #tpu.memory_space<vmem>> -> memref<80x128xf32, #tpu.memory_space<vmem>>
        %dma_start3A_298 = tpu.memref_slice %arg5[%add3A_294] : memref<25600xi32, #tpu.memory_space<vmem>> -> memref<80xi32, #tpu.memory_space<vmem>>
        %dma_start3A_299 = arith.constant 0 : i32
        %dma_start3A_300 = arith.constant 0 : i32
        %dma_start3A_301 = tpu.memref_slice %arg2[%dma_start3A_299, %dma_start3A_300] : memref<70560x128xf32, #tpu.memory_space<hbm>> -> memref<70560x128xf32, #tpu.memory_space<hbm>>
        tpu.enqueue_indirect_dma source(%dma_start3A_301 : memref<70560x128xf32, #tpu.memory_space<hbm>>) target(%dma_start3A_297 : memref<80x128xf32, #tpu.memory_space<vmem>>) offsets(%dma_start3A_298 : memref<80xi32, #tpu.memory_space<vmem>>) semaphore(%arg8 : memref<!tpu.dma_semaphore, #tpu.memory_space<semaphore_mem>>)
        %mul3A_302 = arith.constant 400 : i32
        %mul3A_303 = arith.muli %add3A_257, %mul3A_302 : i32
        %add3A_304 = arith.constant 320 : i32
        %add3A_305 = arith.addi %mul3A_303, %add3A_304 : i32
        %dma_start3A_306 = arith.constant 320 : i32
        %dma_start3A_307 = arith.constant 0 : i32
        %dma_start3A_308 = tpu.memref_slice %arg6[%dma_start3A_306, %dma_start3A_307] : memref<400x128xf32, #tpu.memory_space<vmem>> -> memref<80x128xf32, #tpu.memory_space<vmem>>
        %dma_start3A_309 = tpu.memref_slice %arg5[%add3A_305] : memref<25600xi32, #tpu.memory_space<vmem>> -> memref<80xi32, #tpu.memory_space<vmem>>
        %dma_start3A_310 = arith.constant 0 : i32
        %dma_start3A_311 = arith.constant 0 : i32
        %dma_start3A_312 = tpu.memref_slice %arg2[%dma_start3A_310, %dma_start3A_311] : memref<70560x128xf32, #tpu.memory_space<hbm>> -> memref<70560x128xf32, #tpu.memory_space<hbm>>
        tpu.enqueue_indirect_dma source(%dma_start3A_312 : memref<70560x128xf32, #tpu.memory_space<hbm>>) target(%dma_start3A_308 : memref<80x128xf32, #tpu.memory_space<vmem>>) offsets(%dma_start3A_309 : memref<80xi32, #tpu.memory_space<vmem>>) semaphore(%arg8 : memref<!tpu.dma_semaphore, #tpu.memory_space<semaphore_mem>>)
      } else {
      }
      %mul3A_194 = arith.constant 400 : i32
      %mul3A_195 = arith.muli %add3A_181, %mul3A_194 : i32
      %add3A_196 = arith.constant 0 : i32
      %add3A_197 = arith.addi %mul3A_195, %add3A_196 : i32
      %dma_wait3A_198 = arith.constant 0 : i32
      %dma_wait3A_199 = arith.constant 0 : i32
      %dma_wait3A_200 = tpu.memref_slice %arg7[%dma_wait3A_198, %dma_wait3A_199] : memref<400x128xf32, #tpu.memory_space<vmem>> -> memref<80x128xf32, #tpu.memory_space<vmem>>
      %dma_wait3A_201 = tpu.memref_slice %arg5[%add3A_197] : memref<25600xi32, #tpu.memory_space<vmem>> -> memref<80xi32, #tpu.memory_space<vmem>>
      %dma_wait3A_202 = arith.constant 0 : i32
      %dma_wait3A_203 = arith.constant 0 : i32
      %dma_wait3A_204 = tpu.memref_slice %arg2[%dma_wait3A_202, %dma_wait3A_203] : memref<70560x128xf32, #tpu.memory_space<hbm>> -> memref<70560x128xf32, #tpu.memory_space<hbm>>
      tpu.wait_indirect_dma semaphore(%arg9 : memref<!tpu.dma_semaphore, #tpu.memory_space<semaphore_mem>>) src(%dma_wait3A_204 : memref<70560x128xf32, #tpu.memory_space<hbm>>) dst(%dma_wait3A_200 : memref<80x128xf32, #tpu.memory_space<vmem>>)
      %mul3A_205 = arith.constant 400 : i32
      %mul3A_206 = arith.muli %add3A_181, %mul3A_205 : i32
      %add3A_207 = arith.constant 80 : i32
      %add3A_208 = arith.addi %mul3A_206, %add3A_207 : i32
      %dma_wait3A_209 = arith.constant 80 : i32
      %dma_wait3A_210 = arith.constant 0 : i32
      %dma_wait3A_211 = tpu.memref_slice %arg7[%dma_wait3A_209, %dma_wait3A_210] : memref<400x128xf32, #tpu.memory_space<vmem>> -> memref<80x128xf32, #tpu.memory_space<vmem>>
      %dma_wait3A_212 = tpu.memref_slice %arg5[%add3A_208] : memref<25600xi32, #tpu.memory_space<vmem>> -> memref<80xi32, #tpu.memory_space<vmem>>
      %dma_wait3A_213 = arith.constant 0 : i32
      %dma_wait3A_214 = arith.constant 0 : i32
      %dma_wait3A_215 = tpu.memref_slice %arg2[%dma_wait3A_213, %dma_wait3A_214] : memref<70560x128xf32, #tpu.memory_space<hbm>> -> memref<70560x128xf32, #tpu.memory_space<hbm>>
      tpu.wait_indirect_dma semaphore(%arg9 : memref<!tpu.dma_semaphore, #tpu.memory_space<semaphore_mem>>) src(%dma_wait3A_215 : memref<70560x128xf32, #tpu.memory_space<hbm>>) dst(%dma_wait3A_211 : memref<80x128xf32, #tpu.memory_space<vmem>>)
      %mul3A_216 = arith.constant 400 : i32
      %mul3A_217 = arith.muli %add3A_181, %mul3A_216 : i32
      %add3A_218 = arith.constant 160 : i32
      %add3A_219 = arith.addi %mul3A_217, %add3A_218 : i32
      %dma_wait3A_220 = arith.constant 160 : i32
      %dma_wait3A_221 = arith.constant 0 : i32
      %dma_wait3A_222 = tpu.memref_slice %arg7[%dma_wait3A_220, %dma_wait3A_221] : memref<400x128xf32, #tpu.memory_space<vmem>> -> memref<80x128xf32, #tpu.memory_space<vmem>>
      %dma_wait3A_223 = tpu.memref_slice %arg5[%add3A_219] : memref<25600xi32, #tpu.memory_space<vmem>> -> memref<80xi32, #tpu.memory_space<vmem>>
      %dma_wait3A_224 = arith.constant 0 : i32
      %dma_wait3A_225 = arith.constant 0 : i32
      %dma_wait3A_226 = tpu.memref_slice %arg2[%dma_wait3A_224, %dma_wait3A_225] : memref<70560x128xf32, #tpu.memory_space<hbm>> -> memref<70560x128xf32, #tpu.memory_space<hbm>>
      tpu.wait_indirect_dma semaphore(%arg9 : memref<!tpu.dma_semaphore, #tpu.memory_space<semaphore_mem>>) src(%dma_wait3A_226 : memref<70560x128xf32, #tpu.memory_space<hbm>>) dst(%dma_wait3A_222 : memref<80x128xf32, #tpu.memory_space<vmem>>)
      %mul3A_227 = arith.constant 400 : i32
      %mul3A_228 = arith.muli %add3A_181, %mul3A_227 : i32
      %add3A_229 = arith.constant 240 : i32
      %add3A_230 = arith.addi %mul3A_228, %add3A_229 : i32
      %dma_wait3A_231 = arith.constant 240 : i32
      %dma_wait3A_232 = arith.constant 0 : i32
      %dma_wait3A_233 = tpu.memref_slice %arg7[%dma_wait3A_231, %dma_wait3A_232] : memref<400x128xf32, #tpu.memory_space<vmem>> -> memref<80x128xf32, #tpu.memory_space<vmem>>
      %dma_wait3A_234 = tpu.memref_slice %arg5[%add3A_230] : memref<25600xi32, #tpu.memory_space<vmem>> -> memref<80xi32, #tpu.memory_space<vmem>>
      %dma_wait3A_235 = arith.constant 0 : i32
      %dma_wait3A_236 = arith.constant 0 : i32
      %dma_wait3A_237 = tpu.memref_slice %arg2[%dma_wait3A_235, %dma_wait3A_236] : memref<70560x128xf32, #tpu.memory_space<hbm>> -> memref<70560x128xf32, #tpu.memory_space<hbm>>
      tpu.wait_indirect_dma semaphore(%arg9 : memref<!tpu.dma_semaphore, #tpu.memory_space<semaphore_mem>>) src(%dma_wait3A_237 : memref<70560x128xf32, #tpu.memory_space<hbm>>) dst(%dma_wait3A_233 : memref<80x128xf32, #tpu.memory_space<vmem>>)
      %mul3A_238 = arith.constant 400 : i32
      %mul3A_239 = arith.muli %add3A_181, %mul3A_238 : i32
      %add3A_240 = arith.constant 320 : i32
      %add3A_241 = arith.addi %mul3A_239, %add3A_240 : i32
      %dma_wait3A_242 = arith.constant 320 : i32
      %dma_wait3A_243 = arith.constant 0 : i32
      %dma_wait3A_244 = tpu.memref_slice %arg7[%dma_wait3A_242, %dma_wait3A_243] : memref<400x128xf32, #tpu.memory_space<vmem>> -> memref<80x128xf32, #tpu.memory_space<vmem>>
      %dma_wait3A_245 = tpu.memref_slice %arg5[%add3A_241] : memref<25600xi32, #tpu.memory_space<vmem>> -> memref<80xi32, #tpu.memory_space<vmem>>
      %dma_wait3A_246 = arith.constant 0 : i32
      %dma_wait3A_247 = arith.constant 0 : i32
      %dma_wait3A_248 = tpu.memref_slice %arg2[%dma_wait3A_246, %dma_wait3A_247] : memref<70560x128xf32, #tpu.memory_space<hbm>> -> memref<70560x128xf32, #tpu.memory_space<hbm>>
      tpu.wait_indirect_dma semaphore(%arg9 : memref<!tpu.dma_semaphore, #tpu.memory_space<semaphore_mem>>) src(%dma_wait3A_248 : memref<70560x128xf32, #tpu.memory_space<hbm>>) dst(%dma_wait3A_244 : memref<80x128xf32, #tpu.memory_space<vmem>>)
      %mul3A_249 = arith.constant 400 : i32
      %mul3A_250 = arith.muli %add3A_181, %mul3A_249 : i32
      %add3A_251 = arith.addi %mul3A_2, %mul3A_250 : i32
      %dma_start3A_252 = arith.constant 0 : i32
      %dma_start3A_253 = tpu.memref_slice %arg4[%add3A_251, %dma_start3A_252] : memref<819200x128xf32, #tpu.memory_space<hbm>> -> memref<400x128xf32, #tpu.memory_space<hbm>>
      %dma_start3A_254 = arith.constant 0 : i32
      %dma_start3A_255 = tpu.memref_slice %arg4[%add3A_251, %dma_start3A_254] : memref<819200x128xf32, #tpu.memory_space<hbm>> -> memref<400x128xf32, #tpu.memory_space<hbm>>
      tpu.enqueue_dma source(%arg7 : memref<400x128xf32, #tpu.memory_space<vmem>>) target(%dma_start3A_255 : memref<400x128xf32, #tpu.memory_space<hbm>>) target_semaphore(%arg11 : memref<!tpu.dma_semaphore, #tpu.memory_space<semaphore_mem>>)
    }
    %scan3A_46 = arith.constant 32 : i32
    %add3A_47 = arith.constant 25200 : i32
    %add3A_48 = arith.addi %mul3A_2, %add3A_47 : i32
    %dma_wait3A = arith.constant 0 : i32
    %dma_wait3A_49 = tpu.memref_slice %arg4[%add3A_48, %dma_wait3A] : memref<819200x128xf32, #tpu.memory_space<hbm>> -> memref<400x128xf32, #tpu.memory_space<hbm>>
    %dma_wait3A_50 = arith.constant 0 : i32
    %dma_wait3A_51 = tpu.memref_slice %arg4[%add3A_48, %dma_wait3A_50] : memref<819200x128xf32, #tpu.memory_space<hbm>> -> memref<400x128xf32, #tpu.memory_space<hbm>>
    tpu.wait_dma2 semaphore(%arg11 : memref<!tpu.dma_semaphore, #tpu.memory_space<semaphore_mem>>) src(%arg7 : memref<400x128xf32, #tpu.memory_space<vmem>>) dst(%dma_wait3A_51 : memref<400x128xf32, #tpu.memory_space<hbm>>)
    return
  }
}

module attributes {stable_mosaic.version = 14 : i64} {
  func.func @_table_body(%arg0: i32, %arg1: memref<7x16xf32, #tpu.memory_space<vmem>>, %arg2: memref<7x16xf32, #tpu.memory_space<vmem>>, %arg3: memref<2x8xf32, #tpu.memory_space<vmem>>, %arg4: memref<3x8xf32, #tpu.memory_space<vmem>>, %arg5: memref<4x16xf32, #tpu.memory_space<vmem>>, %arg6: memref<2x8xf32, #tpu.memory_space<vmem>>, %arg7: memref<10x16xf32, #tpu.memory_space<vmem>>, %arg8: memref<3x16xf32, #tpu.memory_space<vmem>>, %arg9: memref<104x128xf32, #tpu.memory_space<vmem>>, %arg10: memref<1x128xf32, #tpu.memory_space<vmem>>, %arg11: memref<6x240x128xf32, #tpu.memory_space<vmem>>, %arg12: memref<294x128xf32, #tpu.memory_space<vmem>>, %arg13: memref<240x128xf32, #tpu.memory_space<vmem>>) attributes {dimension_semantics = [#tpu.dimension_semantics<arbitrary>], iteration_bounds = array<i64: 49>, scalar_prefetch = 0 : i64, scratch_operands = 2 : i64, tpu.core_type = #tpu.core_type<tc>, window_params = [{pipeline_mode = #tpu.pipeline_mode<synchronous>, transform_indices = @transform_0, window_bounds = array<i64: 7, 16>}, {pipeline_mode = #tpu.pipeline_mode<synchronous>, transform_indices = @transform_1, window_bounds = array<i64: 7, 16>}, {pipeline_mode = #tpu.pipeline_mode<synchronous>, transform_indices = @transform_2, window_bounds = array<i64: 2, 8>}, {pipeline_mode = #tpu.pipeline_mode<synchronous>, transform_indices = @transform_3, window_bounds = array<i64: 3, 8>}, {pipeline_mode = #tpu.pipeline_mode<synchronous>, transform_indices = @transform_4, window_bounds = array<i64: 4, 16>}, {pipeline_mode = #tpu.pipeline_mode<synchronous>, transform_indices = @transform_5, window_bounds = array<i64: 2, 8>}, {pipeline_mode = #tpu.pipeline_mode<synchronous>, transform_indices = @transform_6, window_bounds = array<i64: 10, 16>}, {pipeline_mode = #tpu.pipeline_mode<synchronous>, transform_indices = @transform_7, window_bounds = array<i64: 3, 16>}, {pipeline_mode = #tpu.pipeline_mode<synchronous>, transform_indices = @transform_8, window_bounds = array<i64: 104, 128>}, {pipeline_mode = #tpu.pipeline_mode<synchronous>, transform_indices = @transform_9, window_bounds = array<i64: 1, 128>}, {transform_indices = @transform_10, window_bounds = array<i64: 6, 240, 128>}]} {
    %eq3A = arith.constant 0 : i32
    %eq3A_0 = arith.cmpi eq, %arg0, %eq3A : i32
    %convert_element_type3A = arith.extui %eq3A_0 : i1 to i32
    %cond3A = arith.constant 0 : i32
    %cond3A_1 = arith.cmpi ne, %convert_element_type3A, %cond3A : i32
    scf.if %cond3A_1 {
      %get3A_14 = arith.constant 0 : index
      %get3A_15 = arith.constant 0 : index
      %get3A_16 = vector.load %arg1[%get3A_14, %get3A_15] : memref<7x16xf32, #tpu.memory_space<vmem>>, vector<7x16xf32>
      %get3A_17 = arith.constant 0 : index
      %get3A_18 = arith.constant 0 : index
      %get3A_19 = vector.load %arg9[%get3A_17, %get3A_18] : memref<104x128xf32, #tpu.memory_space<vmem>>, vector<16x128xf32>
      %dot_general3A = arith.constant dense<0.000000e+00> : vector<7x128xf32>
      %dot_general3A_20 = tpu.matmul %get3A_16, %get3A_19, %dot_general3A {dimension_numbers = #tpu.dot_dimension_numbers<[1], [0], [0], [1], [0, 0, 1, 1], [], []>, transpose_lhs_hint = false} : vector<7x16xf32>, vector<16x128xf32>, vector<7x128xf32> -> vector<7x128xf32>
      %get3A_21 = arith.constant 0 : index
      %get3A_22 = arith.constant 0 : index
      %get3A_23 = vector.load %arg2[%get3A_21, %get3A_22] : memref<7x16xf32, #tpu.memory_space<vmem>>, vector<7x16xf32>
      %get3A_24 = arith.constant 16 : index
      %get3A_25 = arith.constant 0 : index
      %get3A_26 = vector.load %arg9[%get3A_24, %get3A_25] : memref<104x128xf32, #tpu.memory_space<vmem>>, vector<16x128xf32>
      %dot_general3A_27 = arith.constant dense<0.000000e+00> : vector<7x128xf32>
      %dot_general3A_28 = tpu.matmul %get3A_23, %get3A_26, %dot_general3A_27 {dimension_numbers = #tpu.dot_dimension_numbers<[1], [0], [0], [1], [0, 0, 1, 1], [], []>, transpose_lhs_hint = false} : vector<7x16xf32>, vector<16x128xf32>, vector<7x128xf32> -> vector<7x128xf32>
      %get3A_29 = arith.constant 0 : index
      %get3A_30 = arith.constant 0 : index
      %get3A_31 = vector.load %arg3[%get3A_29, %get3A_30] : memref<2x8xf32, #tpu.memory_space<vmem>>, vector<2x8xf32>
      %get3A_32 = arith.constant 32 : index
      %get3A_33 = arith.constant 0 : index
      %get3A_34 = vector.load %arg9[%get3A_32, %get3A_33] : memref<104x128xf32, #tpu.memory_space<vmem>>, vector<8x128xf32>
      %dot_general3A_35 = arith.constant dense<0.000000e+00> : vector<2x128xf32>
      %dot_general3A_36 = tpu.matmul %get3A_31, %get3A_34, %dot_general3A_35 {dimension_numbers = #tpu.dot_dimension_numbers<[1], [0], [0], [1], [0, 0, 1, 1], [], []>, transpose_lhs_hint = false} : vector<2x8xf32>, vector<8x128xf32>, vector<2x128xf32> -> vector<2x128xf32>
      %get3A_37 = arith.constant 0 : index
      %get3A_38 = arith.constant 0 : index
      %get3A_39 = vector.load %arg4[%get3A_37, %get3A_38] : memref<3x8xf32, #tpu.memory_space<vmem>>, vector<3x8xf32>
      %get3A_40 = arith.constant 40 : index
      %get3A_41 = arith.constant 0 : index
      %get3A_42 = vector.load %arg9[%get3A_40, %get3A_41] : memref<104x128xf32, #tpu.memory_space<vmem>>, vector<8x128xf32>
      %dot_general3A_43 = arith.constant dense<0.000000e+00> : vector<3x128xf32>
      %dot_general3A_44 = tpu.matmul %get3A_39, %get3A_42, %dot_general3A_43 {dimension_numbers = #tpu.dot_dimension_numbers<[1], [0], [0], [1], [0, 0, 1, 1], [], []>, transpose_lhs_hint = false} : vector<3x8xf32>, vector<8x128xf32>, vector<3x128xf32> -> vector<3x128xf32>
      %get3A_45 = arith.constant 0 : index
      %get3A_46 = arith.constant 0 : index
      %get3A_47 = vector.load %arg5[%get3A_45, %get3A_46] : memref<4x16xf32, #tpu.memory_space<vmem>>, vector<4x16xf32>
      %get3A_48 = arith.constant 48 : index
      %get3A_49 = arith.constant 0 : index
      %get3A_50 = vector.load %arg9[%get3A_48, %get3A_49] : memref<104x128xf32, #tpu.memory_space<vmem>>, vector<16x128xf32>
      %dot_general3A_51 = arith.constant dense<0.000000e+00> : vector<4x128xf32>
      %dot_general3A_52 = tpu.matmul %get3A_47, %get3A_50, %dot_general3A_51 {dimension_numbers = #tpu.dot_dimension_numbers<[1], [0], [0], [1], [0, 0, 1, 1], [], []>, transpose_lhs_hint = false} : vector<4x16xf32>, vector<16x128xf32>, vector<4x128xf32> -> vector<4x128xf32>
      %get3A_53 = arith.constant 0 : index
      %get3A_54 = arith.constant 0 : index
      %get3A_55 = vector.load %arg6[%get3A_53, %get3A_54] : memref<2x8xf32, #tpu.memory_space<vmem>>, vector<2x8xf32>
      %get3A_56 = arith.constant 64 : index
      %get3A_57 = arith.constant 0 : index
      %get3A_58 = vector.load %arg9[%get3A_56, %get3A_57] : memref<104x128xf32, #tpu.memory_space<vmem>>, vector<8x128xf32>
      %dot_general3A_59 = arith.constant dense<0.000000e+00> : vector<2x128xf32>
      %dot_general3A_60 = tpu.matmul %get3A_55, %get3A_58, %dot_general3A_59 {dimension_numbers = #tpu.dot_dimension_numbers<[1], [0], [0], [1], [0, 0, 1, 1], [], []>, transpose_lhs_hint = false} : vector<2x8xf32>, vector<8x128xf32>, vector<2x128xf32> -> vector<2x128xf32>
      %get3A_61 = arith.constant 0 : index
      %get3A_62 = arith.constant 0 : index
      %get3A_63 = vector.load %arg7[%get3A_61, %get3A_62] : memref<10x16xf32, #tpu.memory_space<vmem>>, vector<10x16xf32>
      %get3A_64 = arith.constant 72 : index
      %get3A_65 = arith.constant 0 : index
      %get3A_66 = vector.load %arg9[%get3A_64, %get3A_65] : memref<104x128xf32, #tpu.memory_space<vmem>>, vector<16x128xf32>
      %dot_general3A_67 = arith.constant dense<0.000000e+00> : vector<10x128xf32>
      %dot_general3A_68 = tpu.matmul %get3A_63, %get3A_66, %dot_general3A_67 {dimension_numbers = #tpu.dot_dimension_numbers<[1], [0], [0], [1], [0, 0, 1, 1], [], []>, transpose_lhs_hint = false} : vector<10x16xf32>, vector<16x128xf32>, vector<10x128xf32> -> vector<10x128xf32>
      %get3A_69 = arith.constant 0 : index
      %get3A_70 = arith.constant 0 : index
      %get3A_71 = vector.load %arg8[%get3A_69, %get3A_70] : memref<3x16xf32, #tpu.memory_space<vmem>>, vector<3x16xf32>
      %get3A_72 = arith.constant 88 : index
      %get3A_73 = arith.constant 0 : index
      %get3A_74 = vector.load %arg9[%get3A_72, %get3A_73] : memref<104x128xf32, #tpu.memory_space<vmem>>, vector<16x128xf32>
      %dot_general3A_75 = arith.constant dense<0.000000e+00> : vector<3x128xf32>
      %dot_general3A_76 = tpu.matmul %get3A_71, %get3A_74, %dot_general3A_75 {dimension_numbers = #tpu.dot_dimension_numbers<[1], [0], [0], [1], [0, 0, 1, 1], [], []>, transpose_lhs_hint = false} : vector<3x16xf32>, vector<16x128xf32>, vector<3x128xf32> -> vector<3x128xf32>
      %get3A_77 = arith.constant 0 : index
      %get3A_78 = arith.constant 0 : index
      %get3A_79 = vector.load %arg10[%get3A_77, %get3A_78] : memref<1x128xf32, #tpu.memory_space<vmem>>, vector<1x128xf32>
      %broadcast_in_dim3A_80 = vector.shape_cast %get3A_79 : vector<1x128xf32> to vector<1x128xf32>
      %broadcast_in_dim3A_81 = vector.broadcast %broadcast_in_dim3A_80 : vector<1x128xf32> to vector<294x128xf32>
      %iota3A = tpu.iota {dimensions = array<i32: 0>} : vector<294x7xi32>
      %iota3A_82 = tpu.iota {dimensions = array<i32: 1>} : vector<294x7xi32>
      %jit3A = arith.constant 42 : i32
      %div3A = vector.broadcast %jit3A : i32 to vector<294x7xi32>
      %div3A_83 = arith.divsi %iota3A, %div3A : vector<294x7xi32>
      %sign3A = arith.constant 0 : i32
      %sign3A_84 = vector.broadcast %sign3A : i32 to vector<294x7xi32>
      %sign3A_85 = arith.cmpi sgt, %iota3A, %sign3A_84 : vector<294x7xi32>
      %sign3A_86 = arith.extui %sign3A_85 : vector<294x7xi1> to vector<294x7xi32>
      %sign3A_87 = arith.constant 0 : i32
      %sign3A_88 = vector.broadcast %sign3A_87 : i32 to vector<294x7xi32>
      %sign3A_89 = arith.cmpi slt, %iota3A, %sign3A_88 : vector<294x7xi32>
      %sign3A_90 = arith.extui %sign3A_89 : vector<294x7xi1> to vector<294x7xi32>
      %sign3A_91 = arith.subi %sign3A_86, %sign3A_90 : vector<294x7xi32>
      %sign3A_92 = arith.constant 0 : i32
      %sign3A_93 = arith.cmpi sgt, %jit3A, %sign3A_92 : i32
      %sign3A_94 = arith.extui %sign3A_93 : i1 to i32
      %sign3A_95 = arith.constant 0 : i32
      %sign3A_96 = arith.cmpi slt, %jit3A, %sign3A_95 : i32
      %sign3A_97 = arith.extui %sign3A_96 : i1 to i32
      %sign3A_98 = arith.subi %sign3A_94, %sign3A_97 : i32
      %ne3A = vector.broadcast %sign3A_98 : i32 to vector<294x7xi32>
      %ne3A_99 = arith.cmpi ne, %sign3A_91, %ne3A : vector<294x7xi32>
      %rem3A = vector.broadcast %jit3A : i32 to vector<294x7xi32>
      %rem3A_100 = arith.remsi %iota3A, %rem3A : vector<294x7xi32>
      %ne3A_101 = arith.constant 0 : i32
      %ne3A_102 = vector.broadcast %ne3A_101 : i32 to vector<294x7xi32>
      %ne3A_103 = arith.cmpi ne, %rem3A_100, %ne3A_102 : vector<294x7xi32>
      %and3A = arith.andi %ne3A_99, %ne3A_103 : vector<294x7xi1>
      %sub3A = arith.constant 1 : i32
      %sub3A_104 = vector.broadcast %sub3A : i32 to vector<294x7xi32>
      %sub3A_105 = arith.subi %div3A_83, %sub3A_104 : vector<294x7xi32>
      %select_n3A = arith.select %and3A, %sub3A_105, %div3A_83 : vector<294x7xi1>, vector<294x7xi32>
      %jit3A_106 = arith.constant 7 : i32
      %eq3A_107 = arith.constant 0 : i32
      %eq3A_108 = arith.cmpi eq, %jit3A_106, %eq3A_107 : i32
      %jit3A_109 = arith.constant 1 : i32
      %select_n3A_110 = arith.select %eq3A_108, %jit3A_109, %jit3A_106 : i32
      %rem3A_111 = vector.broadcast %select_n3A_110 : i32 to vector<294x7xi32>
      %rem3A_112 = arith.remsi %select_n3A, %rem3A_111 : vector<294x7xi32>
      %ne3A_113 = arith.constant 0 : i32
      %ne3A_114 = vector.broadcast %ne3A_113 : i32 to vector<294x7xi32>
      %ne3A_115 = arith.cmpi ne, %rem3A_112, %ne3A_114 : vector<294x7xi32>
      %lt3A = arith.constant 0 : i32
      %lt3A_116 = vector.broadcast %lt3A : i32 to vector<294x7xi32>
      %lt3A_117 = arith.cmpi slt, %rem3A_112, %lt3A_116 : vector<294x7xi32>
      %lt3A_118 = arith.constant 0 : i32
      %lt3A_119 = arith.cmpi slt, %select_n3A_110, %lt3A_118 : i32
      %ne3A_120 = vector.broadcast %lt3A_119 : i1 to vector<294x7xi1>
      %ne3A_121 = vector.broadcast %ne3A_120 : vector<294x7xi1> to vector<294x7xi1>
      %ne3A_122 = arith.xori %lt3A_117, %ne3A_121 : vector<294x7xi1>
      %and3A_123 = arith.andi %ne3A_122, %ne3A_115 : vector<294x7xi1>
      %add3A_124 = vector.broadcast %select_n3A_110 : i32 to vector<294x7xi32>
      %add3A_125 = arith.addi %rem3A_112, %add3A_124 : vector<294x7xi32>
      %select_n3A_126 = arith.select %and3A_123, %add3A_125, %rem3A_112 : vector<294x7xi1>, vector<294x7xi32>
      %eq3A_127 = arith.cmpi eq, %select_n3A_126, %iota3A_82 : vector<294x7xi32>
      %convert_element_type3A_128 = arith.extui %eq3A_127 : vector<294x7xi1> to vector<294x7xi32>
      %convert_element_type3A_129 = arith.sitofp %convert_element_type3A_128 : vector<294x7xi32> to vector<294x7xf32>
      %dot_general3A_130 = arith.constant dense<0.000000e+00> : vector<294x128xf32>
      %dot_general3A_131 = tpu.matmul %convert_element_type3A_129, %dot_general3A_20, %dot_general3A_130 {dimension_numbers = #tpu.dot_dimension_numbers<[1], [0], [0], [1], [0, 0, 1, 1], [], []>, transpose_lhs_hint = false} : vector<294x7xf32>, vector<7x128xf32>, vector<294x128xf32> -> vector<294x128xf32>
      %add3A_132 = arith.addf %broadcast_in_dim3A_81, %dot_general3A_131 : vector<294x128xf32>
      %iota3A_133 = tpu.iota {dimensions = array<i32: 0>} : vector<294x7xi32>
      %iota3A_134 = tpu.iota {dimensions = array<i32: 1>} : vector<294x7xi32>
      %jit3A_135 = arith.constant 6 : i32
      %div3A_136 = vector.broadcast %jit3A_135 : i32 to vector<294x7xi32>
      %div3A_137 = arith.divsi %iota3A_133, %div3A_136 : vector<294x7xi32>
      %sign3A_138 = arith.constant 0 : i32
      %sign3A_139 = vector.broadcast %sign3A_138 : i32 to vector<294x7xi32>
      %sign3A_140 = arith.cmpi sgt, %iota3A_133, %sign3A_139 : vector<294x7xi32>
      %sign3A_141 = arith.extui %sign3A_140 : vector<294x7xi1> to vector<294x7xi32>
      %sign3A_142 = arith.constant 0 : i32
      %sign3A_143 = vector.broadcast %sign3A_142 : i32 to vector<294x7xi32>
      %sign3A_144 = arith.cmpi slt, %iota3A_133, %sign3A_143 : vector<294x7xi32>
      %sign3A_145 = arith.extui %sign3A_144 : vector<294x7xi1> to vector<294x7xi32>
      %sign3A_146 = arith.subi %sign3A_141, %sign3A_145 : vector<294x7xi32>
      %sign3A_147 = arith.constant 0 : i32
      %sign3A_148 = arith.cmpi sgt, %jit3A_135, %sign3A_147 : i32
      %sign3A_149 = arith.extui %sign3A_148 : i1 to i32
      %sign3A_150 = arith.constant 0 : i32
      %sign3A_151 = arith.cmpi slt, %jit3A_135, %sign3A_150 : i32
      %sign3A_152 = arith.extui %sign3A_151 : i1 to i32
      %sign3A_153 = arith.subi %sign3A_149, %sign3A_152 : i32
      %ne3A_154 = vector.broadcast %sign3A_153 : i32 to vector<294x7xi32>
      %ne3A_155 = arith.cmpi ne, %sign3A_146, %ne3A_154 : vector<294x7xi32>
      %rem3A_156 = vector.broadcast %jit3A_135 : i32 to vector<294x7xi32>
      %rem3A_157 = arith.remsi %iota3A_133, %rem3A_156 : vector<294x7xi32>
      %ne3A_158 = arith.constant 0 : i32
      %ne3A_159 = vector.broadcast %ne3A_158 : i32 to vector<294x7xi32>
      %ne3A_160 = arith.cmpi ne, %rem3A_157, %ne3A_159 : vector<294x7xi32>
      %and3A_161 = arith.andi %ne3A_155, %ne3A_160 : vector<294x7xi1>
      %sub3A_162 = arith.constant 1 : i32
      %sub3A_163 = vector.broadcast %sub3A_162 : i32 to vector<294x7xi32>
      %sub3A_164 = arith.subi %div3A_137, %sub3A_163 : vector<294x7xi32>
      %select_n3A_165 = arith.select %and3A_161, %sub3A_164, %div3A_137 : vector<294x7xi1>, vector<294x7xi32>
      %jit3A_166 = arith.constant 7 : i32
      %eq3A_167 = arith.constant 0 : i32
      %eq3A_168 = arith.cmpi eq, %jit3A_166, %eq3A_167 : i32
      %jit3A_169 = arith.constant 1 : i32
      %select_n3A_170 = arith.select %eq3A_168, %jit3A_169, %jit3A_166 : i32
      %rem3A_171 = vector.broadcast %select_n3A_170 : i32 to vector<294x7xi32>
      %rem3A_172 = arith.remsi %select_n3A_165, %rem3A_171 : vector<294x7xi32>
      %ne3A_173 = arith.constant 0 : i32
      %ne3A_174 = vector.broadcast %ne3A_173 : i32 to vector<294x7xi32>
      %ne3A_175 = arith.cmpi ne, %rem3A_172, %ne3A_174 : vector<294x7xi32>
      %lt3A_176 = arith.constant 0 : i32
      %lt3A_177 = vector.broadcast %lt3A_176 : i32 to vector<294x7xi32>
      %lt3A_178 = arith.cmpi slt, %rem3A_172, %lt3A_177 : vector<294x7xi32>
      %lt3A_179 = arith.constant 0 : i32
      %lt3A_180 = arith.cmpi slt, %select_n3A_170, %lt3A_179 : i32
      %ne3A_181 = vector.broadcast %lt3A_180 : i1 to vector<294x7xi1>
      %ne3A_182 = vector.broadcast %ne3A_181 : vector<294x7xi1> to vector<294x7xi1>
      %ne3A_183 = arith.xori %lt3A_178, %ne3A_182 : vector<294x7xi1>
      %and3A_184 = arith.andi %ne3A_183, %ne3A_175 : vector<294x7xi1>
      %add3A_185 = vector.broadcast %select_n3A_170 : i32 to vector<294x7xi32>
      %add3A_186 = arith.addi %rem3A_172, %add3A_185 : vector<294x7xi32>
      %select_n3A_187 = arith.select %and3A_184, %add3A_186, %rem3A_172 : vector<294x7xi1>, vector<294x7xi32>
      %eq3A_188 = arith.cmpi eq, %select_n3A_187, %iota3A_134 : vector<294x7xi32>
      %convert_element_type3A_189 = arith.extui %eq3A_188 : vector<294x7xi1> to vector<294x7xi32>
      %convert_element_type3A_190 = arith.sitofp %convert_element_type3A_189 : vector<294x7xi32> to vector<294x7xf32>
      %dot_general3A_191 = arith.constant dense<0.000000e+00> : vector<294x128xf32>
      %dot_general3A_192 = tpu.matmul %convert_element_type3A_190, %dot_general3A_28, %dot_general3A_191 {dimension_numbers = #tpu.dot_dimension_numbers<[1], [0], [0], [1], [0, 0, 1, 1], [], []>, transpose_lhs_hint = false} : vector<294x7xf32>, vector<7x128xf32>, vector<294x128xf32> -> vector<294x128xf32>
      %add3A_193 = arith.addf %add3A_132, %dot_general3A_192 : vector<294x128xf32>
      %iota3A_194 = tpu.iota {dimensions = array<i32: 0>} : vector<294x2xi32>
      %iota3A_195 = tpu.iota {dimensions = array<i32: 1>} : vector<294x2xi32>
      %jit3A_196 = arith.constant 3 : i32
      %div3A_197 = vector.broadcast %jit3A_196 : i32 to vector<294x2xi32>
      %div3A_198 = arith.divsi %iota3A_194, %div3A_197 : vector<294x2xi32>
      %sign3A_199 = arith.constant 0 : i32
      %sign3A_200 = vector.broadcast %sign3A_199 : i32 to vector<294x2xi32>
      %sign3A_201 = arith.cmpi sgt, %iota3A_194, %sign3A_200 : vector<294x2xi32>
      %sign3A_202 = arith.extui %sign3A_201 : vector<294x2xi1> to vector<294x2xi32>
      %sign3A_203 = arith.constant 0 : i32
      %sign3A_204 = vector.broadcast %sign3A_203 : i32 to vector<294x2xi32>
      %sign3A_205 = arith.cmpi slt, %iota3A_194, %sign3A_204 : vector<294x2xi32>
      %sign3A_206 = arith.extui %sign3A_205 : vector<294x2xi1> to vector<294x2xi32>
      %sign3A_207 = arith.subi %sign3A_202, %sign3A_206 : vector<294x2xi32>
      %sign3A_208 = arith.constant 0 : i32
      %sign3A_209 = arith.cmpi sgt, %jit3A_196, %sign3A_208 : i32
      %sign3A_210 = arith.extui %sign3A_209 : i1 to i32
      %sign3A_211 = arith.constant 0 : i32
      %sign3A_212 = arith.cmpi slt, %jit3A_196, %sign3A_211 : i32
      %sign3A_213 = arith.extui %sign3A_212 : i1 to i32
      %sign3A_214 = arith.subi %sign3A_210, %sign3A_213 : i32
      %ne3A_215 = vector.broadcast %sign3A_214 : i32 to vector<294x2xi32>
      %ne3A_216 = arith.cmpi ne, %sign3A_207, %ne3A_215 : vector<294x2xi32>
      %rem3A_217 = vector.broadcast %jit3A_196 : i32 to vector<294x2xi32>
      %rem3A_218 = arith.remsi %iota3A_194, %rem3A_217 : vector<294x2xi32>
      %ne3A_219 = arith.constant 0 : i32
      %ne3A_220 = vector.broadcast %ne3A_219 : i32 to vector<294x2xi32>
      %ne3A_221 = arith.cmpi ne, %rem3A_218, %ne3A_220 : vector<294x2xi32>
      %and3A_222 = arith.andi %ne3A_216, %ne3A_221 : vector<294x2xi1>
      %sub3A_223 = arith.constant 1 : i32
      %sub3A_224 = vector.broadcast %sub3A_223 : i32 to vector<294x2xi32>
      %sub3A_225 = arith.subi %div3A_198, %sub3A_224 : vector<294x2xi32>
      %select_n3A_226 = arith.select %and3A_222, %sub3A_225, %div3A_198 : vector<294x2xi1>, vector<294x2xi32>
      %jit3A_227 = arith.constant 2 : i32
      %eq3A_228 = arith.constant 0 : i32
      %eq3A_229 = arith.cmpi eq, %jit3A_227, %eq3A_228 : i32
      %jit3A_230 = arith.constant 1 : i32
      %select_n3A_231 = arith.select %eq3A_229, %jit3A_230, %jit3A_227 : i32
      %rem3A_232 = vector.broadcast %select_n3A_231 : i32 to vector<294x2xi32>
      %rem3A_233 = arith.remsi %select_n3A_226, %rem3A_232 : vector<294x2xi32>
      %ne3A_234 = arith.constant 0 : i32
      %ne3A_235 = vector.broadcast %ne3A_234 : i32 to vector<294x2xi32>
      %ne3A_236 = arith.cmpi ne, %rem3A_233, %ne3A_235 : vector<294x2xi32>
      %lt3A_237 = arith.constant 0 : i32
      %lt3A_238 = vector.broadcast %lt3A_237 : i32 to vector<294x2xi32>
      %lt3A_239 = arith.cmpi slt, %rem3A_233, %lt3A_238 : vector<294x2xi32>
      %lt3A_240 = arith.constant 0 : i32
      %lt3A_241 = arith.cmpi slt, %select_n3A_231, %lt3A_240 : i32
      %ne3A_242 = vector.broadcast %lt3A_241 : i1 to vector<294x2xi1>
      %ne3A_243 = vector.broadcast %ne3A_242 : vector<294x2xi1> to vector<294x2xi1>
      %ne3A_244 = arith.xori %lt3A_239, %ne3A_243 : vector<294x2xi1>
      %and3A_245 = arith.andi %ne3A_244, %ne3A_236 : vector<294x2xi1>
      %add3A_246 = vector.broadcast %select_n3A_231 : i32 to vector<294x2xi32>
      %add3A_247 = arith.addi %rem3A_233, %add3A_246 : vector<294x2xi32>
      %select_n3A_248 = arith.select %and3A_245, %add3A_247, %rem3A_233 : vector<294x2xi1>, vector<294x2xi32>
      %eq3A_249 = arith.cmpi eq, %select_n3A_248, %iota3A_195 : vector<294x2xi32>
      %convert_element_type3A_250 = arith.extui %eq3A_249 : vector<294x2xi1> to vector<294x2xi32>
      %convert_element_type3A_251 = arith.sitofp %convert_element_type3A_250 : vector<294x2xi32> to vector<294x2xf32>
      %dot_general3A_252 = arith.constant dense<0.000000e+00> : vector<294x128xf32>
      %dot_general3A_253 = tpu.matmul %convert_element_type3A_251, %dot_general3A_36, %dot_general3A_252 {dimension_numbers = #tpu.dot_dimension_numbers<[1], [0], [0], [1], [0, 0, 1, 1], [], []>, transpose_lhs_hint = false} : vector<294x2xf32>, vector<2x128xf32>, vector<294x128xf32> -> vector<294x128xf32>
      %add3A_254 = arith.addf %add3A_193, %dot_general3A_253 : vector<294x128xf32>
      %iota3A_255 = tpu.iota {dimensions = array<i32: 0>} : vector<294x3xi32>
      %iota3A_256 = tpu.iota {dimensions = array<i32: 1>} : vector<294x3xi32>
      %jit3A_257 = arith.constant 1 : i32
      %div3A_258 = vector.broadcast %jit3A_257 : i32 to vector<294x3xi32>
      %div3A_259 = arith.divsi %iota3A_255, %div3A_258 : vector<294x3xi32>
      %sign3A_260 = arith.constant 0 : i32
      %sign3A_261 = vector.broadcast %sign3A_260 : i32 to vector<294x3xi32>
      %sign3A_262 = arith.cmpi sgt, %iota3A_255, %sign3A_261 : vector<294x3xi32>
      %sign3A_263 = arith.extui %sign3A_262 : vector<294x3xi1> to vector<294x3xi32>
      %sign3A_264 = arith.constant 0 : i32
      %sign3A_265 = vector.broadcast %sign3A_264 : i32 to vector<294x3xi32>
      %sign3A_266 = arith.cmpi slt, %iota3A_255, %sign3A_265 : vector<294x3xi32>
      %sign3A_267 = arith.extui %sign3A_266 : vector<294x3xi1> to vector<294x3xi32>
      %sign3A_268 = arith.subi %sign3A_263, %sign3A_267 : vector<294x3xi32>
      %sign3A_269 = arith.constant 0 : i32
      %sign3A_270 = arith.cmpi sgt, %jit3A_257, %sign3A_269 : i32
      %sign3A_271 = arith.extui %sign3A_270 : i1 to i32
      %sign3A_272 = arith.constant 0 : i32
      %sign3A_273 = arith.cmpi slt, %jit3A_257, %sign3A_272 : i32
      %sign3A_274 = arith.extui %sign3A_273 : i1 to i32
      %sign3A_275 = arith.subi %sign3A_271, %sign3A_274 : i32
      %ne3A_276 = vector.broadcast %sign3A_275 : i32 to vector<294x3xi32>
      %ne3A_277 = arith.cmpi ne, %sign3A_268, %ne3A_276 : vector<294x3xi32>
      %rem3A_278 = vector.broadcast %jit3A_257 : i32 to vector<294x3xi32>
      %rem3A_279 = arith.remsi %iota3A_255, %rem3A_278 : vector<294x3xi32>
      %ne3A_280 = arith.constant 0 : i32
      %ne3A_281 = vector.broadcast %ne3A_280 : i32 to vector<294x3xi32>
      %ne3A_282 = arith.cmpi ne, %rem3A_279, %ne3A_281 : vector<294x3xi32>
      %and3A_283 = arith.andi %ne3A_277, %ne3A_282 : vector<294x3xi1>
      %sub3A_284 = arith.constant 1 : i32
      %sub3A_285 = vector.broadcast %sub3A_284 : i32 to vector<294x3xi32>
      %sub3A_286 = arith.subi %div3A_259, %sub3A_285 : vector<294x3xi32>
      %select_n3A_287 = arith.select %and3A_283, %sub3A_286, %div3A_259 : vector<294x3xi1>, vector<294x3xi32>
      %jit3A_288 = arith.constant 3 : i32
      %eq3A_289 = arith.constant 0 : i32
      %eq3A_290 = arith.cmpi eq, %jit3A_288, %eq3A_289 : i32
      %jit3A_291 = arith.constant 1 : i32
      %select_n3A_292 = arith.select %eq3A_290, %jit3A_291, %jit3A_288 : i32
      %rem3A_293 = vector.broadcast %select_n3A_292 : i32 to vector<294x3xi32>
      %rem3A_294 = arith.remsi %select_n3A_287, %rem3A_293 : vector<294x3xi32>
      %ne3A_295 = arith.constant 0 : i32
      %ne3A_296 = vector.broadcast %ne3A_295 : i32 to vector<294x3xi32>
      %ne3A_297 = arith.cmpi ne, %rem3A_294, %ne3A_296 : vector<294x3xi32>
      %lt3A_298 = arith.constant 0 : i32
      %lt3A_299 = vector.broadcast %lt3A_298 : i32 to vector<294x3xi32>
      %lt3A_300 = arith.cmpi slt, %rem3A_294, %lt3A_299 : vector<294x3xi32>
      %lt3A_301 = arith.constant 0 : i32
      %lt3A_302 = arith.cmpi slt, %select_n3A_292, %lt3A_301 : i32
      %ne3A_303 = vector.broadcast %lt3A_302 : i1 to vector<294x3xi1>
      %ne3A_304 = vector.broadcast %ne3A_303 : vector<294x3xi1> to vector<294x3xi1>
      %ne3A_305 = arith.xori %lt3A_300, %ne3A_304 : vector<294x3xi1>
      %and3A_306 = arith.andi %ne3A_305, %ne3A_297 : vector<294x3xi1>
      %add3A_307 = vector.broadcast %select_n3A_292 : i32 to vector<294x3xi32>
      %add3A_308 = arith.addi %rem3A_294, %add3A_307 : vector<294x3xi32>
      %select_n3A_309 = arith.select %and3A_306, %add3A_308, %rem3A_294 : vector<294x3xi1>, vector<294x3xi32>
      %eq3A_310 = arith.cmpi eq, %select_n3A_309, %iota3A_256 : vector<294x3xi32>
      %convert_element_type3A_311 = arith.extui %eq3A_310 : vector<294x3xi1> to vector<294x3xi32>
      %convert_element_type3A_312 = arith.sitofp %convert_element_type3A_311 : vector<294x3xi32> to vector<294x3xf32>
      %dot_general3A_313 = arith.constant dense<0.000000e+00> : vector<294x128xf32>
      %dot_general3A_314 = tpu.matmul %convert_element_type3A_312, %dot_general3A_44, %dot_general3A_313 {dimension_numbers = #tpu.dot_dimension_numbers<[1], [0], [0], [1], [0, 0, 1, 1], [], []>, transpose_lhs_hint = false} : vector<294x3xf32>, vector<3x128xf32>, vector<294x128xf32> -> vector<294x128xf32>
      %add3A_315 = arith.addf %add3A_254, %dot_general3A_314 : vector<294x128xf32>
      %swap3A_316 = arith.constant 0 : index
      %swap3A_317 = arith.constant 0 : index
      %swap3A_318 = vector.load %arg12[%swap3A_316, %swap3A_317] : memref<294x128xf32, #tpu.memory_space<vmem>>, vector<294x128xf32>
      tpu.vector_store %arg12[%swap3A_316, %swap3A_317], %add3A_315 {strides = array<i32>} : memref<294x128xf32, #tpu.memory_space<vmem>>, vector<294x128xf32>,
      %broadcast_in_dim3A_319 = arith.constant 0.000000e+00 : f32
      %broadcast_in_dim3A_320 = vector.broadcast %broadcast_in_dim3A_319 : f32 to vector<240x128xf32>
      %iota3A_321 = tpu.iota {dimensions = array<i32: 0>} : vector<240x4xi32>
      %iota3A_322 = tpu.iota {dimensions = array<i32: 1>} : vector<240x4xi32>
      %jit3A_323 = arith.constant 60 : i32
      %div3A_324 = vector.broadcast %jit3A_323 : i32 to vector<240x4xi32>
      %div3A_325 = arith.divsi %iota3A_321, %div3A_324 : vector<240x4xi32>
      %sign3A_326 = arith.constant 0 : i32
      %sign3A_327 = vector.broadcast %sign3A_326 : i32 to vector<240x4xi32>
      %sign3A_328 = arith.cmpi sgt, %iota3A_321, %sign3A_327 : vector<240x4xi32>
      %sign3A_329 = arith.extui %sign3A_328 : vector<240x4xi1> to vector<240x4xi32>
      %sign3A_330 = arith.constant 0 : i32
      %sign3A_331 = vector.broadcast %sign3A_330 : i32 to vector<240x4xi32>
      %sign3A_332 = arith.cmpi slt, %iota3A_321, %sign3A_331 : vector<240x4xi32>
      %sign3A_333 = arith.extui %sign3A_332 : vector<240x4xi1> to vector<240x4xi32>
      %sign3A_334 = arith.subi %sign3A_329, %sign3A_333 : vector<240x4xi32>
      %sign3A_335 = arith.constant 0 : i32
      %sign3A_336 = arith.cmpi sgt, %jit3A_323, %sign3A_335 : i32
      %sign3A_337 = arith.extui %sign3A_336 : i1 to i32
      %sign3A_338 = arith.constant 0 : i32
      %sign3A_339 = arith.cmpi slt, %jit3A_323, %sign3A_338 : i32
      %sign3A_340 = arith.extui %sign3A_339 : i1 to i32
      %sign3A_341 = arith.subi %sign3A_337, %sign3A_340 : i32
      %ne3A_342 = vector.broadcast %sign3A_341 : i32 to vector<240x4xi32>
      %ne3A_343 = arith.cmpi ne, %sign3A_334, %ne3A_342 : vector<240x4xi32>
      %rem3A_344 = vector.broadcast %jit3A_323 : i32 to vector<240x4xi32>
      %rem3A_345 = arith.remsi %iota3A_321, %rem3A_344 : vector<240x4xi32>
      %ne3A_346 = arith.constant 0 : i32
      %ne3A_347 = vector.broadcast %ne3A_346 : i32 to vector<240x4xi32>
      %ne3A_348 = arith.cmpi ne, %rem3A_345, %ne3A_347 : vector<240x4xi32>
      %and3A_349 = arith.andi %ne3A_343, %ne3A_348 : vector<240x4xi1>
      %sub3A_350 = arith.constant 1 : i32
      %sub3A_351 = vector.broadcast %sub3A_350 : i32 to vector<240x4xi32>
      %sub3A_352 = arith.subi %div3A_325, %sub3A_351 : vector<240x4xi32>
      %select_n3A_353 = arith.select %and3A_349, %sub3A_352, %div3A_325 : vector<240x4xi1>, vector<240x4xi32>
      %jit3A_354 = arith.constant 4 : i32
      %eq3A_355 = arith.constant 0 : i32
      %eq3A_356 = arith.cmpi eq, %jit3A_354, %eq3A_355 : i32
      %jit3A_357 = arith.constant 1 : i32
      %select_n3A_358 = arith.select %eq3A_356, %jit3A_357, %jit3A_354 : i32
      %rem3A_359 = vector.broadcast %select_n3A_358 : i32 to vector<240x4xi32>
      %rem3A_360 = arith.remsi %select_n3A_353, %rem3A_359 : vector<240x4xi32>
      %ne3A_361 = arith.constant 0 : i32
      %ne3A_362 = vector.broadcast %ne3A_361 : i32 to vector<240x4xi32>
      %ne3A_363 = arith.cmpi ne, %rem3A_360, %ne3A_362 : vector<240x4xi32>
      %lt3A_364 = arith.constant 0 : i32
      %lt3A_365 = vector.broadcast %lt3A_364 : i32 to vector<240x4xi32>
      %lt3A_366 = arith.cmpi slt, %rem3A_360, %lt3A_365 : vector<240x4xi32>
      %lt3A_367 = arith.constant 0 : i32
      %lt3A_368 = arith.cmpi slt, %select_n3A_358, %lt3A_367 : i32
      %ne3A_369 = vector.broadcast %lt3A_368 : i1 to vector<240x4xi1>
      %ne3A_370 = vector.broadcast %ne3A_369 : vector<240x4xi1> to vector<240x4xi1>
      %ne3A_371 = arith.xori %lt3A_366, %ne3A_370 : vector<240x4xi1>
      %and3A_372 = arith.andi %ne3A_371, %ne3A_363 : vector<240x4xi1>
      %add3A_373 = vector.broadcast %select_n3A_358 : i32 to vector<240x4xi32>
      %add3A_374 = arith.addi %rem3A_360, %add3A_373 : vector<240x4xi32>
      %select_n3A_375 = arith.select %and3A_372, %add3A_374, %rem3A_360 : vector<240x4xi1>, vector<240x4xi32>
      %eq3A_376 = arith.cmpi eq, %select_n3A_375, %iota3A_322 : vector<240x4xi32>
      %convert_element_type3A_377 = arith.extui %eq3A_376 : vector<240x4xi1> to vector<240x4xi32>
      %convert_element_type3A_378 = arith.sitofp %convert_element_type3A_377 : vector<240x4xi32> to vector<240x4xf32>
      %dot_general3A_379 = arith.constant dense<0.000000e+00> : vector<240x128xf32>
      %dot_general3A_380 = tpu.matmul %convert_element_type3A_378, %dot_general3A_52, %dot_general3A_379 {dimension_numbers = #tpu.dot_dimension_numbers<[1], [0], [0], [1], [0, 0, 1, 1], [], []>, transpose_lhs_hint = false} : vector<240x4xf32>, vector<4x128xf32>, vector<240x128xf32> -> vector<240x128xf32>
      %add3A_381 = arith.addf %broadcast_in_dim3A_320, %dot_general3A_380 : vector<240x128xf32>
      %iota3A_382 = tpu.iota {dimensions = array<i32: 0>} : vector<240x2xi32>
      %iota3A_383 = tpu.iota {dimensions = array<i32: 1>} : vector<240x2xi32>
      %jit3A_384 = arith.constant 30 : i32
      %div3A_385 = vector.broadcast %jit3A_384 : i32 to vector<240x2xi32>
      %div3A_386 = arith.divsi %iota3A_382, %div3A_385 : vector<240x2xi32>
      %sign3A_387 = arith.constant 0 : i32
      %sign3A_388 = vector.broadcast %sign3A_387 : i32 to vector<240x2xi32>
      %sign3A_389 = arith.cmpi sgt, %iota3A_382, %sign3A_388 : vector<240x2xi32>
      %sign3A_390 = arith.extui %sign3A_389 : vector<240x2xi1> to vector<240x2xi32>
      %sign3A_391 = arith.constant 0 : i32
      %sign3A_392 = vector.broadcast %sign3A_391 : i32 to vector<240x2xi32>
      %sign3A_393 = arith.cmpi slt, %iota3A_382, %sign3A_392 : vector<240x2xi32>
      %sign3A_394 = arith.extui %sign3A_393 : vector<240x2xi1> to vector<240x2xi32>
      %sign3A_395 = arith.subi %sign3A_390, %sign3A_394 : vector<240x2xi32>
      %sign3A_396 = arith.constant 0 : i32
      %sign3A_397 = arith.cmpi sgt, %jit3A_384, %sign3A_396 : i32
      %sign3A_398 = arith.extui %sign3A_397 : i1 to i32
      %sign3A_399 = arith.constant 0 : i32
      %sign3A_400 = arith.cmpi slt, %jit3A_384, %sign3A_399 : i32
      %sign3A_401 = arith.extui %sign3A_400 : i1 to i32
      %sign3A_402 = arith.subi %sign3A_398, %sign3A_401 : i32
      %ne3A_403 = vector.broadcast %sign3A_402 : i32 to vector<240x2xi32>
      %ne3A_404 = arith.cmpi ne, %sign3A_395, %ne3A_403 : vector<240x2xi32>
      %rem3A_405 = vector.broadcast %jit3A_384 : i32 to vector<240x2xi32>
      %rem3A_406 = arith.remsi %iota3A_382, %rem3A_405 : vector<240x2xi32>
      %ne3A_407 = arith.constant 0 : i32
      %ne3A_408 = vector.broadcast %ne3A_407 : i32 to vector<240x2xi32>
      %ne3A_409 = arith.cmpi ne, %rem3A_406, %ne3A_408 : vector<240x2xi32>
      %and3A_410 = arith.andi %ne3A_404, %ne3A_409 : vector<240x2xi1>
      %sub3A_411 = arith.constant 1 : i32
      %sub3A_412 = vector.broadcast %sub3A_411 : i32 to vector<240x2xi32>
      %sub3A_413 = arith.subi %div3A_386, %sub3A_412 : vector<240x2xi32>
      %select_n3A_414 = arith.select %and3A_410, %sub3A_413, %div3A_386 : vector<240x2xi1>, vector<240x2xi32>
      %jit3A_415 = arith.constant 2 : i32
      %eq3A_416 = arith.constant 0 : i32
      %eq3A_417 = arith.cmpi eq, %jit3A_415, %eq3A_416 : i32
      %jit3A_418 = arith.constant 1 : i32
      %select_n3A_419 = arith.select %eq3A_417, %jit3A_418, %jit3A_415 : i32
      %rem3A_420 = vector.broadcast %select_n3A_419 : i32 to vector<240x2xi32>
      %rem3A_421 = arith.remsi %select_n3A_414, %rem3A_420 : vector<240x2xi32>
      %ne3A_422 = arith.constant 0 : i32
      %ne3A_423 = vector.broadcast %ne3A_422 : i32 to vector<240x2xi32>
      %ne3A_424 = arith.cmpi ne, %rem3A_421, %ne3A_423 : vector<240x2xi32>
      %lt3A_425 = arith.constant 0 : i32
      %lt3A_426 = vector.broadcast %lt3A_425 : i32 to vector<240x2xi32>
      %lt3A_427 = arith.cmpi slt, %rem3A_421, %lt3A_426 : vector<240x2xi32>
      %lt3A_428 = arith.constant 0 : i32
      %lt3A_429 = arith.cmpi slt, %select_n3A_419, %lt3A_428 : i32
      %ne3A_430 = vector.broadcast %lt3A_429 : i1 to vector<240x2xi1>
      %ne3A_431 = vector.broadcast %ne3A_430 : vector<240x2xi1> to vector<240x2xi1>
      %ne3A_432 = arith.xori %lt3A_427, %ne3A_431 : vector<240x2xi1>
      %and3A_433 = arith.andi %ne3A_432, %ne3A_424 : vector<240x2xi1>
      %add3A_434 = vector.broadcast %select_n3A_419 : i32 to vector<240x2xi32>
      %add3A_435 = arith.addi %rem3A_421, %add3A_434 : vector<240x2xi32>
      %select_n3A_436 = arith.select %and3A_433, %add3A_435, %rem3A_421 : vector<240x2xi1>, vector<240x2xi32>
      %eq3A_437 = arith.cmpi eq, %select_n3A_436, %iota3A_383 : vector<240x2xi32>
      %convert_element_type3A_438 = arith.extui %eq3A_437 : vector<240x2xi1> to vector<240x2xi32>
      %convert_element_type3A_439 = arith.sitofp %convert_element_type3A_438 : vector<240x2xi32> to vector<240x2xf32>
      %dot_general3A_440 = arith.constant dense<0.000000e+00> : vector<240x128xf32>
      %dot_general3A_441 = tpu.matmul %convert_element_type3A_439, %dot_general3A_60, %dot_general3A_440 {dimension_numbers = #tpu.dot_dimension_numbers<[1], [0], [0], [1], [0, 0, 1, 1], [], []>, transpose_lhs_hint = false} : vector<240x2xf32>, vector<2x128xf32>, vector<240x128xf32> -> vector<240x128xf32>
      %add3A_442 = arith.addf %add3A_381, %dot_general3A_441 : vector<240x128xf32>
      %iota3A_443 = tpu.iota {dimensions = array<i32: 0>} : vector<240x10xi32>
      %iota3A_444 = tpu.iota {dimensions = array<i32: 1>} : vector<240x10xi32>
      %jit3A_445 = arith.constant 3 : i32
      %div3A_446 = vector.broadcast %jit3A_445 : i32 to vector<240x10xi32>
      %div3A_447 = arith.divsi %iota3A_443, %div3A_446 : vector<240x10xi32>
      %sign3A_448 = arith.constant 0 : i32
      %sign3A_449 = vector.broadcast %sign3A_448 : i32 to vector<240x10xi32>
      %sign3A_450 = arith.cmpi sgt, %iota3A_443, %sign3A_449 : vector<240x10xi32>
      %sign3A_451 = arith.extui %sign3A_450 : vector<240x10xi1> to vector<240x10xi32>
      %sign3A_452 = arith.constant 0 : i32
      %sign3A_453 = vector.broadcast %sign3A_452 : i32 to vector<240x10xi32>
      %sign3A_454 = arith.cmpi slt, %iota3A_443, %sign3A_453 : vector<240x10xi32>
      %sign3A_455 = arith.extui %sign3A_454 : vector<240x10xi1> to vector<240x10xi32>
      %sign3A_456 = arith.subi %sign3A_451, %sign3A_455 : vector<240x10xi32>
      %sign3A_457 = arith.constant 0 : i32
      %sign3A_458 = arith.cmpi sgt, %jit3A_445, %sign3A_457 : i32
      %sign3A_459 = arith.extui %sign3A_458 : i1 to i32
      %sign3A_460 = arith.constant 0 : i32
      %sign3A_461 = arith.cmpi slt, %jit3A_445, %sign3A_460 : i32
      %sign3A_462 = arith.extui %sign3A_461 : i1 to i32
      %sign3A_463 = arith.subi %sign3A_459, %sign3A_462 : i32
      %ne3A_464 = vector.broadcast %sign3A_463 : i32 to vector<240x10xi32>
      %ne3A_465 = arith.cmpi ne, %sign3A_456, %ne3A_464 : vector<240x10xi32>
      %rem3A_466 = vector.broadcast %jit3A_445 : i32 to vector<240x10xi32>
      %rem3A_467 = arith.remsi %iota3A_443, %rem3A_466 : vector<240x10xi32>
      %ne3A_468 = arith.constant 0 : i32
      %ne3A_469 = vector.broadcast %ne3A_468 : i32 to vector<240x10xi32>
      %ne3A_470 = arith.cmpi ne, %rem3A_467, %ne3A_469 : vector<240x10xi32>
      %and3A_471 = arith.andi %ne3A_465, %ne3A_470 : vector<240x10xi1>
      %sub3A_472 = arith.constant 1 : i32
      %sub3A_473 = vector.broadcast %sub3A_472 : i32 to vector<240x10xi32>
      %sub3A_474 = arith.subi %div3A_447, %sub3A_473 : vector<240x10xi32>
      %select_n3A_475 = arith.select %and3A_471, %sub3A_474, %div3A_447 : vector<240x10xi1>, vector<240x10xi32>
      %jit3A_476 = arith.constant 10 : i32
      %eq3A_477 = arith.constant 0 : i32
      %eq3A_478 = arith.cmpi eq, %jit3A_476, %eq3A_477 : i32
      %jit3A_479 = arith.constant 1 : i32
      %select_n3A_480 = arith.select %eq3A_478, %jit3A_479, %jit3A_476 : i32
      %rem3A_481 = vector.broadcast %select_n3A_480 : i32 to vector<240x10xi32>
      %rem3A_482 = arith.remsi %select_n3A_475, %rem3A_481 : vector<240x10xi32>
      %ne3A_483 = arith.constant 0 : i32
      %ne3A_484 = vector.broadcast %ne3A_483 : i32 to vector<240x10xi32>
      %ne3A_485 = arith.cmpi ne, %rem3A_482, %ne3A_484 : vector<240x10xi32>
      %lt3A_486 = arith.constant 0 : i32
      %lt3A_487 = vector.broadcast %lt3A_486 : i32 to vector<240x10xi32>
      %lt3A_488 = arith.cmpi slt, %rem3A_482, %lt3A_487 : vector<240x10xi32>
      %lt3A_489 = arith.constant 0 : i32
      %lt3A_490 = arith.cmpi slt, %select_n3A_480, %lt3A_489 : i32
      %ne3A_491 = vector.broadcast %lt3A_490 : i1 to vector<240x10xi1>
      %ne3A_492 = vector.broadcast %ne3A_491 : vector<240x10xi1> to vector<240x10xi1>
      %ne3A_493 = arith.xori %lt3A_488, %ne3A_492 : vector<240x10xi1>
      %and3A_494 = arith.andi %ne3A_493, %ne3A_485 : vector<240x10xi1>
      %add3A_495 = vector.broadcast %select_n3A_480 : i32 to vector<240x10xi32>
      %add3A_496 = arith.addi %rem3A_482, %add3A_495 : vector<240x10xi32>
      %select_n3A_497 = arith.select %and3A_494, %add3A_496, %rem3A_482 : vector<240x10xi1>, vector<240x10xi32>
      %eq3A_498 = arith.cmpi eq, %select_n3A_497, %iota3A_444 : vector<240x10xi32>
      %convert_element_type3A_499 = arith.extui %eq3A_498 : vector<240x10xi1> to vector<240x10xi32>
      %convert_element_type3A_500 = arith.sitofp %convert_element_type3A_499 : vector<240x10xi32> to vector<240x10xf32>
      %dot_general3A_501 = arith.constant dense<0.000000e+00> : vector<240x128xf32>
      %dot_general3A_502 = tpu.matmul %convert_element_type3A_500, %dot_general3A_68, %dot_general3A_501 {dimension_numbers = #tpu.dot_dimension_numbers<[1], [0], [0], [1], [0, 0, 1, 1], [], []>, transpose_lhs_hint = false} : vector<240x10xf32>, vector<10x128xf32>, vector<240x128xf32> -> vector<240x128xf32>
      %add3A_503 = arith.addf %add3A_442, %dot_general3A_502 : vector<240x128xf32>
      %iota3A_504 = tpu.iota {dimensions = array<i32: 0>} : vector<240x3xi32>
      %iota3A_505 = tpu.iota {dimensions = array<i32: 1>} : vector<240x3xi32>
      %jit3A_506 = arith.constant 1 : i32
      %div3A_507 = vector.broadcast %jit3A_506 : i32 to vector<240x3xi32>
      %div3A_508 = arith.divsi %iota3A_504, %div3A_507 : vector<240x3xi32>
      %sign3A_509 = arith.constant 0 : i32
      %sign3A_510 = vector.broadcast %sign3A_509 : i32 to vector<240x3xi32>
      %sign3A_511 = arith.cmpi sgt, %iota3A_504, %sign3A_510 : vector<240x3xi32>
      %sign3A_512 = arith.extui %sign3A_511 : vector<240x3xi1> to vector<240x3xi32>
      %sign3A_513 = arith.constant 0 : i32
      %sign3A_514 = vector.broadcast %sign3A_513 : i32 to vector<240x3xi32>
      %sign3A_515 = arith.cmpi slt, %iota3A_504, %sign3A_514 : vector<240x3xi32>
      %sign3A_516 = arith.extui %sign3A_515 : vector<240x3xi1> to vector<240x3xi32>
      %sign3A_517 = arith.subi %sign3A_512, %sign3A_516 : vector<240x3xi32>
      %sign3A_518 = arith.constant 0 : i32
      %sign3A_519 = arith.cmpi sgt, %jit3A_506, %sign3A_518 : i32
      %sign3A_520 = arith.extui %sign3A_519 : i1 to i32
      %sign3A_521 = arith.constant 0 : i32
      %sign3A_522 = arith.cmpi slt, %jit3A_506, %sign3A_521 : i32
      %sign3A_523 = arith.extui %sign3A_522 : i1 to i32
      %sign3A_524 = arith.subi %sign3A_520, %sign3A_523 : i32
      %ne3A_525 = vector.broadcast %sign3A_524 : i32 to vector<240x3xi32>
      %ne3A_526 = arith.cmpi ne, %sign3A_517, %ne3A_525 : vector<240x3xi32>
      %rem3A_527 = vector.broadcast %jit3A_506 : i32 to vector<240x3xi32>
      %rem3A_528 = arith.remsi %iota3A_504, %rem3A_527 : vector<240x3xi32>
      %ne3A_529 = arith.constant 0 : i32
      %ne3A_530 = vector.broadcast %ne3A_529 : i32 to vector<240x3xi32>
      %ne3A_531 = arith.cmpi ne, %rem3A_528, %ne3A_530 : vector<240x3xi32>
      %and3A_532 = arith.andi %ne3A_526, %ne3A_531 : vector<240x3xi1>
      %sub3A_533 = arith.constant 1 : i32
      %sub3A_534 = vector.broadcast %sub3A_533 : i32 to vector<240x3xi32>
      %sub3A_535 = arith.subi %div3A_508, %sub3A_534 : vector<240x3xi32>
      %select_n3A_536 = arith.select %and3A_532, %sub3A_535, %div3A_508 : vector<240x3xi1>, vector<240x3xi32>
      %jit3A_537 = arith.constant 3 : i32
      %eq3A_538 = arith.constant 0 : i32
      %eq3A_539 = arith.cmpi eq, %jit3A_537, %eq3A_538 : i32
      %jit3A_540 = arith.constant 1 : i32
      %select_n3A_541 = arith.select %eq3A_539, %jit3A_540, %jit3A_537 : i32
      %rem3A_542 = vector.broadcast %select_n3A_541 : i32 to vector<240x3xi32>
      %rem3A_543 = arith.remsi %select_n3A_536, %rem3A_542 : vector<240x3xi32>
      %ne3A_544 = arith.constant 0 : i32
      %ne3A_545 = vector.broadcast %ne3A_544 : i32 to vector<240x3xi32>
      %ne3A_546 = arith.cmpi ne, %rem3A_543, %ne3A_545 : vector<240x3xi32>
      %lt3A_547 = arith.constant 0 : i32
      %lt3A_548 = vector.broadcast %lt3A_547 : i32 to vector<240x3xi32>
      %lt3A_549 = arith.cmpi slt, %rem3A_543, %lt3A_548 : vector<240x3xi32>
      %lt3A_550 = arith.constant 0 : i32
      %lt3A_551 = arith.cmpi slt, %select_n3A_541, %lt3A_550 : i32
      %ne3A_552 = vector.broadcast %lt3A_551 : i1 to vector<240x3xi1>
      %ne3A_553 = vector.broadcast %ne3A_552 : vector<240x3xi1> to vector<240x3xi1>
      %ne3A_554 = arith.xori %lt3A_549, %ne3A_553 : vector<240x3xi1>
      %and3A_555 = arith.andi %ne3A_554, %ne3A_546 : vector<240x3xi1>
      %add3A_556 = vector.broadcast %select_n3A_541 : i32 to vector<240x3xi32>
      %add3A_557 = arith.addi %rem3A_543, %add3A_556 : vector<240x3xi32>
      %select_n3A_558 = arith.select %and3A_555, %add3A_557, %rem3A_543 : vector<240x3xi1>, vector<240x3xi32>
      %eq3A_559 = arith.cmpi eq, %select_n3A_558, %iota3A_505 : vector<240x3xi32>
      %convert_element_type3A_560 = arith.extui %eq3A_559 : vector<240x3xi1> to vector<240x3xi32>
      %convert_element_type3A_561 = arith.sitofp %convert_element_type3A_560 : vector<240x3xi32> to vector<240x3xf32>
      %dot_general3A_562 = arith.constant dense<0.000000e+00> : vector<240x128xf32>
      %dot_general3A_563 = tpu.matmul %convert_element_type3A_561, %dot_general3A_76, %dot_general3A_562 {dimension_numbers = #tpu.dot_dimension_numbers<[1], [0], [0], [1], [0, 0, 1, 1], [], []>, transpose_lhs_hint = false} : vector<240x3xf32>, vector<3x128xf32>, vector<240x128xf32> -> vector<240x128xf32>
      %add3A_564 = arith.addf %add3A_503, %dot_general3A_563 : vector<240x128xf32>
      %swap3A_565 = arith.constant 0 : index
      %swap3A_566 = arith.constant 0 : index
      %swap3A_567 = vector.load %arg13[%swap3A_565, %swap3A_566] : memref<240x128xf32, #tpu.memory_space<vmem>>, vector<240x128xf32>
      tpu.vector_store %arg13[%swap3A_565, %swap3A_566], %add3A_564 {strides = array<i32>} : memref<240x128xf32, #tpu.memory_space<vmem>>, vector<240x128xf32>,
    } else {
    }
    %mul3A = arith.constant 6 : i32
    %mul3A_2 = arith.muli %arg0, %mul3A : i32
    %get3A = arith.index_cast %mul3A_2 : i32 to index
    %get3A_3 = arith.constant 0 : index
    %get3A_4 = vector.load %arg12[%get3A, %get3A_3] : memref<294x128xf32, #tpu.memory_space<vmem>>, vector<6x128xf32>
    %broadcast_in_dim3A = vector.shape_cast %get3A_4 : vector<6x128xf32> to vector<6x1x128xf32>
    %get3A_5 = arith.constant 0 : index
    %get3A_6 = arith.constant 0 : index
    %get3A_7 = vector.load %arg13[%get3A_5, %get3A_6] : memref<240x128xf32, #tpu.memory_space<vmem>>, vector<240x128xf32>
    %broadcast_in_dim3A_8 = vector.shape_cast %get3A_7 : vector<240x128xf32> to vector<1x240x128xf32>
    %add3A = vector.broadcast %broadcast_in_dim3A : vector<6x1x128xf32> to vector<6x240x128xf32>
    %add3A_9 = vector.broadcast %broadcast_in_dim3A_8 : vector<1x240x128xf32> to vector<6x240x128xf32>
    %add3A_10 = arith.addf %add3A, %add3A_9 : vector<6x240x128xf32>
    %swap3A = arith.constant 0 : index
    %swap3A_11 = arith.constant 0 : index
    %swap3A_12 = arith.constant 0 : index
    %swap3A_13 = vector.load %arg11[%swap3A, %swap3A_11, %swap3A_12] : memref<6x240x128xf32, #tpu.memory_space<vmem>>, vector<6x240x128xf32>
    tpu.vector_store %arg11[%swap3A, %swap3A_11, %swap3A_12], %add3A_10 {strides = array<i32>} : memref<6x240x128xf32, #tpu.memory_space<vmem>>, vector<6x240x128xf32>,
    return
  }
  func.func @transform_0(%arg0: i32) -> (i32, i32) {
    %c0_i32 = arith.constant 0 : i32
    %c0_i32_0 = arith.constant 0 : i32
    %c0_i32_1 = arith.constant 0 : i32
    return %c0_i32, %c0_i32_0 : i32, i32
  }
  func.func @transform_1(%arg0: i32) -> (i32, i32) {
    %c0_i32 = arith.constant 0 : i32
    %c0_i32_0 = arith.constant 0 : i32
    %c0_i32_1 = arith.constant 0 : i32
    return %c0_i32, %c0_i32_0 : i32, i32
  }
  func.func @transform_2(%arg0: i32) -> (i32, i32) {
    %c0_i32 = arith.constant 0 : i32
    %c0_i32_0 = arith.constant 0 : i32
    %c0_i32_1 = arith.constant 0 : i32
    return %c0_i32, %c0_i32_0 : i32, i32
  }
  func.func @transform_3(%arg0: i32) -> (i32, i32) {
    %c0_i32 = arith.constant 0 : i32
    %c0_i32_0 = arith.constant 0 : i32
    %c0_i32_1 = arith.constant 0 : i32
    return %c0_i32, %c0_i32_0 : i32, i32
  }
  func.func @transform_4(%arg0: i32) -> (i32, i32) {
    %c0_i32 = arith.constant 0 : i32
    %c0_i32_0 = arith.constant 0 : i32
    %c0_i32_1 = arith.constant 0 : i32
    return %c0_i32, %c0_i32_0 : i32, i32
  }
  func.func @transform_5(%arg0: i32) -> (i32, i32) {
    %c0_i32 = arith.constant 0 : i32
    %c0_i32_0 = arith.constant 0 : i32
    %c0_i32_1 = arith.constant 0 : i32
    return %c0_i32, %c0_i32_0 : i32, i32
  }
  func.func @transform_6(%arg0: i32) -> (i32, i32) {
    %c0_i32 = arith.constant 0 : i32
    %c0_i32_0 = arith.constant 0 : i32
    %c0_i32_1 = arith.constant 0 : i32
    return %c0_i32, %c0_i32_0 : i32, i32
  }
  func.func @transform_7(%arg0: i32) -> (i32, i32) {
    %c0_i32 = arith.constant 0 : i32
    %c0_i32_0 = arith.constant 0 : i32
    %c0_i32_1 = arith.constant 0 : i32
    return %c0_i32, %c0_i32_0 : i32, i32
  }
  func.func @transform_8(%arg0: i32) -> (i32, i32) {
    %c0_i32 = arith.constant 0 : i32
    %c0_i32_0 = arith.constant 0 : i32
    %c0_i32_1 = arith.constant 0 : i32
    return %c0_i32, %c0_i32_0 : i32, i32
  }
  func.func @transform_9(%arg0: i32) -> (i32, i32) {
    %c0_i32 = arith.constant 0 : i32
    %c0_i32_0 = arith.constant 0 : i32
    %c0_i32_1 = arith.constant 0 : i32
    return %c0_i32, %c0_i32_0 : i32, i32
  }
  func.func @transform_10(%arg0: i32) -> (i32, i32, i32) {
    %c0_i32 = arith.constant 0 : i32
    %c0_i32_0 = arith.constant 0 : i32
    %c0_i32_1 = arith.constant 0 : i32
    return %arg0, %c0_i32, %c0_i32_0 : i32, i32, i32
  }
}

module attributes {stable_mosaic.version = 14 : i64} {
  func.func @_idx_body(%arg0: i32, %arg1: memref<1024x1600xi32, #tpu.memory_space<vmem>>, %arg2: memref<1024x200xi32, #tpu.memory_space<vmem>>) attributes {dimension_semantics = [#tpu.dimension_semantics<arbitrary>], iteration_bounds = array<i64: 4>, scalar_prefetch = 0 : i64, scratch_operands = 0 : i64, tpu.core_type = #tpu.core_type<tc>, window_params = [{transform_indices = @transform_0, window_bounds = array<i64: 1024, 1600>}, {transform_indices = @transform_1, window_bounds = array<i64: 1024, 200>}]} {
    %get3A = arith.constant 0 : index
    %get3A_0 = arith.constant 0 : index
    %get3A_1 = vector.load %arg1[%get3A, %get3A_0] : memref<1024x1600xi32, #tpu.memory_space<vmem>>, vector<1024x1600xi32>
    %convert_element_type3A = arith.sitofp %get3A_1 : vector<1024x1600xi32> to vector<1024x1600xf32>
    %iota3A = tpu.iota {dimensions = array<i32: 0>} : vector<1600x200xi32>
    %iota3A_2 = tpu.iota {dimensions = array<i32: 1>} : vector<1600x200xi32>
    %jit3A = arith.constant 8 : i32
    %div3A = vector.broadcast %jit3A : i32 to vector<1600x200xi32>
    %div3A_3 = arith.divsi %iota3A, %div3A : vector<1600x200xi32>
    %sign3A = arith.constant 0 : i32
    %sign3A_4 = vector.broadcast %sign3A : i32 to vector<1600x200xi32>
    %sign3A_5 = arith.cmpi sgt, %iota3A, %sign3A_4 : vector<1600x200xi32>
    %sign3A_6 = arith.extui %sign3A_5 : vector<1600x200xi1> to vector<1600x200xi32>
    %sign3A_7 = arith.constant 0 : i32
    %sign3A_8 = vector.broadcast %sign3A_7 : i32 to vector<1600x200xi32>
    %sign3A_9 = arith.cmpi slt, %iota3A, %sign3A_8 : vector<1600x200xi32>
    %sign3A_10 = arith.extui %sign3A_9 : vector<1600x200xi1> to vector<1600x200xi32>
    %sign3A_11 = arith.subi %sign3A_6, %sign3A_10 : vector<1600x200xi32>
    %sign3A_12 = arith.constant 0 : i32
    %sign3A_13 = arith.cmpi sgt, %jit3A, %sign3A_12 : i32
    %sign3A_14 = arith.extui %sign3A_13 : i1 to i32
    %sign3A_15 = arith.constant 0 : i32
    %sign3A_16 = arith.cmpi slt, %jit3A, %sign3A_15 : i32
    %sign3A_17 = arith.extui %sign3A_16 : i1 to i32
    %sign3A_18 = arith.subi %sign3A_14, %sign3A_17 : i32
    %ne3A = vector.broadcast %sign3A_18 : i32 to vector<1600x200xi32>
    %ne3A_19 = arith.cmpi ne, %sign3A_11, %ne3A : vector<1600x200xi32>
    %rem3A = vector.broadcast %jit3A : i32 to vector<1600x200xi32>
    %rem3A_20 = arith.remsi %iota3A, %rem3A : vector<1600x200xi32>
    %ne3A_21 = arith.constant 0 : i32
    %ne3A_22 = vector.broadcast %ne3A_21 : i32 to vector<1600x200xi32>
    %ne3A_23 = arith.cmpi ne, %rem3A_20, %ne3A_22 : vector<1600x200xi32>
    %and3A = arith.andi %ne3A_19, %ne3A_23 : vector<1600x200xi1>
    %sub3A = arith.constant 1 : i32
    %sub3A_24 = vector.broadcast %sub3A : i32 to vector<1600x200xi32>
    %sub3A_25 = arith.subi %div3A_3, %sub3A_24 : vector<1600x200xi32>
    %select_n3A = arith.select %and3A, %sub3A_25, %div3A_3 : vector<1600x200xi1>, vector<1600x200xi32>
    %eq3A = arith.cmpi eq, %select_n3A, %iota3A_2 : vector<1600x200xi32>
    %jit3A_26 = arith.constant 8 : i32
    %eq3A_27 = arith.constant 0 : i32
    %eq3A_28 = arith.cmpi eq, %jit3A_26, %eq3A_27 : i32
    %jit3A_29 = arith.constant 1 : i32
    %select_n3A_30 = arith.select %eq3A_28, %jit3A_29, %jit3A_26 : i32
    %rem3A_31 = vector.broadcast %select_n3A_30 : i32 to vector<1600x200xi32>
    %rem3A_32 = arith.remsi %iota3A, %rem3A_31 : vector<1600x200xi32>
    %ne3A_33 = arith.constant 0 : i32
    %ne3A_34 = vector.broadcast %ne3A_33 : i32 to vector<1600x200xi32>
    %ne3A_35 = arith.cmpi ne, %rem3A_32, %ne3A_34 : vector<1600x200xi32>
    %lt3A = arith.constant 0 : i32
    %lt3A_36 = vector.broadcast %lt3A : i32 to vector<1600x200xi32>
    %lt3A_37 = arith.cmpi slt, %rem3A_32, %lt3A_36 : vector<1600x200xi32>
    %lt3A_38 = arith.constant 0 : i32
    %lt3A_39 = arith.cmpi slt, %select_n3A_30, %lt3A_38 : i32
    %ne3A_40 = vector.broadcast %lt3A_39 : i1 to vector<1600x200xi1>
    %ne3A_41 = vector.broadcast %ne3A_40 : vector<1600x200xi1> to vector<1600x200xi1>
    %ne3A_42 = arith.xori %lt3A_37, %ne3A_41 : vector<1600x200xi1>
    %and3A_43 = arith.andi %ne3A_42, %ne3A_35 : vector<1600x200xi1>
    %add3A = vector.broadcast %select_n3A_30 : i32 to vector<1600x200xi32>
    %add3A_44 = arith.addi %rem3A_32, %add3A : vector<1600x200xi32>
    %select_n3A_45 = arith.select %and3A_43, %add3A_44, %rem3A_32 : vector<1600x200xi1>, vector<1600x200xi32>
    %broadcast_in_dim3A = arith.constant 0.000000e+00 : f32
    %broadcast_in_dim3A_46 = vector.broadcast %broadcast_in_dim3A : f32 to vector<1024x200xf32>
    %broadcast_in_dim3A_47 = arith.constant 0.000000e+00 : f32
    %broadcast_in_dim3A_48 = vector.broadcast %broadcast_in_dim3A_47 : f32 to vector<1600x200xf32>
    %eq3A_49 = arith.constant 0 : i32
    %eq3A_50 = vector.broadcast %eq3A_49 : i32 to vector<1600x200xi32>
    %eq3A_51 = arith.cmpi eq, %select_n3A_45, %eq3A_50 : vector<1600x200xi32>
    %and3A_52 = arith.andi %eq3A, %eq3A_51 : vector<1600x200xi1>
    %jit3A_53 = arith.constant 1.004800e+04 : f32
    %broadcast_in_dim3A_54 = vector.broadcast %jit3A_53 : f32 to vector<1600x200xf32>
    %select_n3A_55 = arith.select %and3A_52, %broadcast_in_dim3A_54, %broadcast_in_dim3A_48 : vector<1600x200xi1>, vector<1600x200xf32>
    %eq3A_56 = arith.constant 1 : i32
    %eq3A_57 = vector.broadcast %eq3A_56 : i32 to vector<1600x200xi32>
    %eq3A_58 = arith.cmpi eq, %select_n3A_45, %eq3A_57 : vector<1600x200xi32>
    %and3A_59 = arith.andi %eq3A, %eq3A_58 : vector<1600x200xi1>
    %jit3A_60 = arith.constant 1.408000e+03 : f32
    %broadcast_in_dim3A_61 = vector.broadcast %jit3A_60 : f32 to vector<1600x200xf32>
    %select_n3A_62 = arith.select %and3A_59, %broadcast_in_dim3A_61, %select_n3A_55 : vector<1600x200xi1>, vector<1600x200xf32>
    %eq3A_63 = arith.constant 2 : i32
    %eq3A_64 = vector.broadcast %eq3A_63 : i32 to vector<1600x200xi32>
    %eq3A_65 = arith.cmpi eq, %select_n3A_45, %eq3A_64 : vector<1600x200xi32>
    %and3A_66 = arith.andi %eq3A, %eq3A_65 : vector<1600x200xi1>
    %jit3A_67 = arith.constant 7.040000e+02 : f32
    %broadcast_in_dim3A_68 = vector.broadcast %jit3A_67 : f32 to vector<1600x200xf32>
    %select_n3A_69 = arith.select %and3A_66, %broadcast_in_dim3A_68, %select_n3A_62 : vector<1600x200xi1>, vector<1600x200xf32>
    %eq3A_70 = arith.constant 3 : i32
    %eq3A_71 = vector.broadcast %eq3A_70 : i32 to vector<1600x200xi32>
    %eq3A_72 = arith.cmpi eq, %select_n3A_45, %eq3A_71 : vector<1600x200xi32>
    %and3A_73 = arith.andi %eq3A, %eq3A_72 : vector<1600x200xi1>
    %jit3A_74 = arith.constant 1.920000e+02 : f32
    %broadcast_in_dim3A_75 = vector.broadcast %jit3A_74 : f32 to vector<1600x200xf32>
    %select_n3A_76 = arith.select %and3A_73, %broadcast_in_dim3A_75, %select_n3A_69 : vector<1600x200xi1>, vector<1600x200xf32>
    %eq3A_77 = arith.constant 4 : i32
    %eq3A_78 = vector.broadcast %eq3A_77 : i32 to vector<1600x200xi32>
    %eq3A_79 = arith.cmpi eq, %select_n3A_45, %eq3A_78 : vector<1600x200xi32>
    %and3A_80 = arith.andi %eq3A, %eq3A_79 : vector<1600x200xi1>
    %jit3A_81 = arith.constant 0.000000e+00 : f32
    %broadcast_in_dim3A_82 = vector.broadcast %jit3A_81 : f32 to vector<1600x200xf32>
    %select_n3A_83 = arith.select %and3A_80, %broadcast_in_dim3A_82, %select_n3A_76 : vector<1600x200xi1>, vector<1600x200xf32>
    %eq3A_84 = arith.constant 5 : i32
    %eq3A_85 = vector.broadcast %eq3A_84 : i32 to vector<1600x200xi32>
    %eq3A_86 = arith.cmpi eq, %select_n3A_45, %eq3A_85 : vector<1600x200xi32>
    %and3A_87 = arith.andi %eq3A, %eq3A_86 : vector<1600x200xi1>
    %jit3A_88 = arith.constant 0.000000e+00 : f32
    %broadcast_in_dim3A_89 = vector.broadcast %jit3A_88 : f32 to vector<1600x200xf32>
    %select_n3A_90 = arith.select %and3A_87, %broadcast_in_dim3A_89, %select_n3A_83 : vector<1600x200xi1>, vector<1600x200xf32>
    %eq3A_91 = arith.constant 6 : i32
    %eq3A_92 = vector.broadcast %eq3A_91 : i32 to vector<1600x200xi32>
    %eq3A_93 = arith.cmpi eq, %select_n3A_45, %eq3A_92 : vector<1600x200xi32>
    %and3A_94 = arith.andi %eq3A, %eq3A_93 : vector<1600x200xi1>
    %jit3A_95 = arith.constant 0.000000e+00 : f32
    %broadcast_in_dim3A_96 = vector.broadcast %jit3A_95 : f32 to vector<1600x200xf32>
    %select_n3A_97 = arith.select %and3A_94, %broadcast_in_dim3A_96, %select_n3A_90 : vector<1600x200xi1>, vector<1600x200xf32>
    %eq3A_98 = arith.constant 7 : i32
    %eq3A_99 = vector.broadcast %eq3A_98 : i32 to vector<1600x200xi32>
    %eq3A_100 = arith.cmpi eq, %select_n3A_45, %eq3A_99 : vector<1600x200xi32>
    %and3A_101 = arith.andi %eq3A, %eq3A_100 : vector<1600x200xi1>
    %jit3A_102 = arith.constant 0.000000e+00 : f32
    %broadcast_in_dim3A_103 = vector.broadcast %jit3A_102 : f32 to vector<1600x200xf32>
    %select_n3A_104 = arith.select %and3A_101, %broadcast_in_dim3A_103, %select_n3A_97 : vector<1600x200xi1>, vector<1600x200xf32>
    %dot_general3A = arith.constant dense<0.000000e+00> : vector<1024x200xf32>
    %dot_general3A_105 = tpu.matmul %convert_element_type3A, %select_n3A_104, %dot_general3A {dimension_numbers = #tpu.dot_dimension_numbers<[1], [0], [0], [1], [0, 0, 1, 1], [], []>, transpose_lhs_hint = false} : vector<1024x1600xf32>, vector<1600x200xf32>, vector<1024x200xf32> -> vector<1024x200xf32>
    %add3A_106 = arith.addf %broadcast_in_dim3A_46, %dot_general3A_105 : vector<1024x200xf32>
    %broadcast_in_dim3A_107 = arith.constant 0.000000e+00 : f32
    %broadcast_in_dim3A_108 = vector.broadcast %broadcast_in_dim3A_107 : f32 to vector<1600x200xf32>
    %eq3A_109 = arith.constant 0 : i32
    %eq3A_110 = vector.broadcast %eq3A_109 : i32 to vector<1600x200xi32>
    %eq3A_111 = arith.cmpi eq, %select_n3A_45, %eq3A_110 : vector<1600x200xi32>
    %and3A_112 = arith.andi %eq3A, %eq3A_111 : vector<1600x200xi1>
    %jit3A_113 = arith.constant 3.200000e+01 : f32
    %broadcast_in_dim3A_114 = vector.broadcast %jit3A_113 : f32 to vector<1600x200xf32>
    %select_n3A_115 = arith.select %and3A_112, %broadcast_in_dim3A_114, %broadcast_in_dim3A_108 : vector<1600x200xi1>, vector<1600x200xf32>
    %eq3A_116 = arith.constant 1 : i32
    %eq3A_117 = vector.broadcast %eq3A_116 : i32 to vector<1600x200xi32>
    %eq3A_118 = arith.cmpi eq, %select_n3A_45, %eq3A_117 : vector<1600x200xi32>
    %and3A_119 = arith.andi %eq3A, %eq3A_118 : vector<1600x200xi1>
    %jit3A_120 = arith.constant 3.200000e+01 : f32
    %broadcast_in_dim3A_121 = vector.broadcast %jit3A_120 : f32 to vector<1600x200xf32>
    %select_n3A_122 = arith.select %and3A_119, %broadcast_in_dim3A_121, %select_n3A_115 : vector<1600x200xi1>, vector<1600x200xf32>
    %eq3A_123 = arith.constant 2 : i32
    %eq3A_124 = vector.broadcast %eq3A_123 : i32 to vector<1600x200xi32>
    %eq3A_125 = arith.cmpi eq, %select_n3A_45, %eq3A_124 : vector<1600x200xi32>
    %and3A_126 = arith.andi %eq3A, %eq3A_125 : vector<1600x200xi1>
    %jit3A_127 = arith.constant 1.600000e+01 : f32
    %broadcast_in_dim3A_128 = vector.broadcast %jit3A_127 : f32 to vector<1600x200xf32>
    %select_n3A_129 = arith.select %and3A_126, %broadcast_in_dim3A_128, %select_n3A_122 : vector<1600x200xi1>, vector<1600x200xf32>
    %eq3A_130 = arith.constant 3 : i32
    %eq3A_131 = vector.broadcast %eq3A_130 : i32 to vector<1600x200xi32>
    %eq3A_132 = arith.cmpi eq, %select_n3A_45, %eq3A_131 : vector<1600x200xi32>
    %and3A_133 = arith.andi %eq3A, %eq3A_132 : vector<1600x200xi1>
    %jit3A_134 = arith.constant 4.800000e+01 : f32
    %broadcast_in_dim3A_135 = vector.broadcast %jit3A_134 : f32 to vector<1600x200xf32>
    %select_n3A_136 = arith.select %and3A_133, %broadcast_in_dim3A_135, %select_n3A_129 : vector<1600x200xi1>, vector<1600x200xf32>
    %eq3A_137 = arith.constant 4 : i32
    %eq3A_138 = vector.broadcast %eq3A_137 : i32 to vector<1600x200xi32>
    %eq3A_139 = arith.cmpi eq, %select_n3A_45, %eq3A_138 : vector<1600x200xi32>
    %and3A_140 = arith.andi %eq3A, %eq3A_139 : vector<1600x200xi1>
    %jit3A_141 = arith.constant 6.000000e+01 : f32
    %broadcast_in_dim3A_142 = vector.broadcast %jit3A_141 : f32 to vector<1600x200xf32>
    %select_n3A_143 = arith.select %and3A_140, %broadcast_in_dim3A_142, %select_n3A_136 : vector<1600x200xi1>, vector<1600x200xf32>
    %eq3A_144 = arith.constant 5 : i32
    %eq3A_145 = vector.broadcast %eq3A_144 : i32 to vector<1600x200xi32>
    %eq3A_146 = arith.cmpi eq, %select_n3A_45, %eq3A_145 : vector<1600x200xi32>
    %and3A_147 = arith.andi %eq3A, %eq3A_146 : vector<1600x200xi1>
    %jit3A_148 = arith.constant 3.000000e+01 : f32
    %broadcast_in_dim3A_149 = vector.broadcast %jit3A_148 : f32 to vector<1600x200xf32>
    %select_n3A_150 = arith.select %and3A_147, %broadcast_in_dim3A_149, %select_n3A_143 : vector<1600x200xi1>, vector<1600x200xf32>
    %eq3A_151 = arith.constant 6 : i32
    %eq3A_152 = vector.broadcast %eq3A_151 : i32 to vector<1600x200xi32>
    %eq3A_153 = arith.cmpi eq, %select_n3A_45, %eq3A_152 : vector<1600x200xi32>
    %and3A_154 = arith.andi %eq3A, %eq3A_153 : vector<1600x200xi1>
    %jit3A_155 = arith.constant 3.000000e+00 : f32
    %broadcast_in_dim3A_156 = vector.broadcast %jit3A_155 : f32 to vector<1600x200xf32>
    %select_n3A_157 = arith.select %and3A_154, %broadcast_in_dim3A_156, %select_n3A_150 : vector<1600x200xi1>, vector<1600x200xf32>
    %eq3A_158 = arith.constant 7 : i32
    %eq3A_159 = vector.broadcast %eq3A_158 : i32 to vector<1600x200xi32>
    %eq3A_160 = arith.cmpi eq, %select_n3A_45, %eq3A_159 : vector<1600x200xi32>
    %and3A_161 = arith.andi %eq3A, %eq3A_160 : vector<1600x200xi1>
    %jit3A_162 = arith.constant 1.000000e+00 : f32
    %broadcast_in_dim3A_163 = vector.broadcast %jit3A_162 : f32 to vector<1600x200xf32>
    %select_n3A_164 = arith.select %and3A_161, %broadcast_in_dim3A_163, %select_n3A_157 : vector<1600x200xi1>, vector<1600x200xf32>
    %dot_general3A_165 = arith.constant dense<0.000000e+00> : vector<1024x200xf32>
    %dot_general3A_166 = tpu.matmul %convert_element_type3A, %select_n3A_164, %dot_general3A_165 {dimension_numbers = #tpu.dot_dimension_numbers<[1], [0], [0], [1], [0, 0, 1, 1], [], []>, transpose_lhs_hint = false} : vector<1024x1600xf32>, vector<1600x200xf32>, vector<1024x200xf32> -> vector<1024x200xf32>
    %add3A_167 = arith.addf %add3A_106, %dot_general3A_166 : vector<1024x200xf32>
    %add3A_168 = arith.constant 5.000000e-01 : f32
    %add3A_169 = vector.broadcast %add3A_168 : f32 to vector<1024x200xf32>
    %add3A_170 = arith.addf %add3A_167, %add3A_169 : vector<1024x200xf32>
    %convert_element_type3A_171 = arith.fptosi %add3A_170 : vector<1024x200xf32> to vector<1024x200xi32>
    %swap3A = arith.constant 0 : index
    %swap3A_172 = arith.constant 0 : index
    %swap3A_173 = vector.load %arg2[%swap3A, %swap3A_172] : memref<1024x200xi32, #tpu.memory_space<vmem>>, vector<1024x200xi32>
    tpu.vector_store %arg2[%swap3A, %swap3A_172], %convert_element_type3A_171 {strides = array<i32>} : memref<1024x200xi32, #tpu.memory_space<vmem>>, vector<1024x200xi32>,
    return
  }
  func.func @transform_0(%arg0: i32) -> (i32, i32) {
    %c0_i32 = arith.constant 0 : i32
    %c0_i32_0 = arith.constant 0 : i32
    return %arg0, %c0_i32 : i32, i32
  }
  func.func @transform_1(%arg0: i32) -> (i32, i32) {
    %c0_i32 = arith.constant 0 : i32
    %c0_i32_0 = arith.constant 0 : i32
    return %arg0, %c0_i32 : i32, i32
  }
}

</mosaic_0001>

<sc_bundles>
// kernel: kernel.5.cloned.1.call-start
scs
__scs_entry_jumppad:
0x0: {  	(pc) =	sbr.rel $0x88, $3  }
0x1: {  	(tag) =	ssettag $0x0;
	lr =	simm.s32 $0x1  }
0x2: {  	[smem:$0x3F96] =	sst lr;
	_ =	strace $0xD0000000  }
0x3: {  	_ = 	snop  }
0x4: {  	_ = 	snop  }
0x5: {  	_ = 	snop  }
0x6: {  	_ = 	snop  }
0x7: {  	_ = 	snop  }
__scs_overlays_trampoline_lowered:
0x8: {  	[smem:$0x3FA5] =	sst s0  }
0x9: {  	[smem:$0x3FA6] =	sst s1  }
0xa: {  	[smem:$0x3FA7] =	sst s2  }
0xb: {  	[smem:$0x3FA8] =	sst s3  }
0xc: {  	[smem:$0x3FA9] =	sst s4  }
0xd: {  	[smem:$0x3FAA] =	sst s5  }
0xe: {  	[smem:$0x3FAB] =	sst s6  }
0xf: {  	[smem:$0x3FAC] =	sst s7  }
0x10: {  	[smem:$0x3FAD] =	sst s8  }
0x11: {  	[smem:$0x3FAE] =	sst s9;
	s0 =	simm.s32 @!p0 $0x0  }
0x12: {  	s1 =	sld [smem:$0x3F94];
	s0 =	simm.s32 @p0 $0x1  }
0x13: {  	[smem:$0x3FAF] =	sst s0;
	s0 =	simm.s32 @!p1 $0x0  }
0x14: {  	s2 =	sld [smem:$0x3F93];
	s0 =	simm.s32 @p1 $0x1  }
0x15: {  	[smem:$0x3FB0] =	sst s0;
	s0 =	simm.s32 @!p2 $0x0  }
0x16: {  	s3 =	sld [smem:$0x3FDB];
	s0 =	simm.s32 @p2 $0x1  }
0x17: {  	s4 =	simm.s32 $0x1BF5;
	[smem:$0x3FB2] =	sst s0  }
0x18: {  	s0 =	sld [smem:$0x3F95];
	_ =	swait.ge [sflag:s4], $0x0  }
0x19: {  	s7 =	sld [smem:$0x3F96]  }
0x1a: {  	s8 =	sadd.s32 $0xFFFFE003, lr  }
0x1b: {  	s9 =	sadd.s32 $0xFFFFFEF7, lr;
	s5 =	simm.s32 $0xFFFFFFFF;
	p2 =	slt.u32 s8, $0xFFFFF086  }
0x1c: {  	p1 =	slt.u32 s9, $0xF7A;
	s5 =	simm.s32 @!p2 $0x0  }
0x1d: {  	s5 =	simm.s32 @p1 $0x1;
	p0 =	seq.s32 s7, s2  }
0x1e: {  	s7 =	smul.u32 @!p0 $0xF7A, s2;
	p2 =	seq.s32 @!p0 s5, $0x0  }
0x1f: {  	s9 =	smul.u32 $0xF7A, s1;
	s8 =	simm.s32 @!p0 $0x1BF5;
	p2 =	por !p2, p0  }
0x20: {  	[sflag:s8] =	ssyncset.s32 @!p0 $0xFFFFF086;
	s6 =	sadd.s32 @!p0 s3, s7;
	s7 =	simm.s32 @!p0 $0x108  }
0x21: {  	s3 =	sadd.s32 s3, s9;
	s6 =	sadd.s32 @!p0 $0x88, s6;
	s7 =	simm.s32 @p2 $0x1082  }
0x22: {  	[simem:s7], [sflag:s8] =	dma.local @!p0 [hbm:s6], $0xF7A  }
0x23: {  	s9 =	sor.u32 $0xD0000000, s2;
	s6 =	simm.s32 $0x108;
	_ =	swait.ge @!p0 [sflag:s8], $0x0  }
0x24: {  	s3 =	sadd.s32 $0x88, s3;
	s6 =	simm.s32 @!p1 $0x1082;
	[sflag:s4] =	ssyncset.s32 $0xFFFFF086  }
0x25: {  	[simem:s6], [sflag:s4] =	dma.local [hbm:s3], $0xF7A  }
0x26: {  	[smem:$0x3F96] =	sst s1;
	(tag) =	ssettag s2;
	_ =	strace s9  }
0x27: {  	s1 =	sld [smem:$0x3FA6]  }
0x28: {  	s2 =	sld [smem:$0x3FA7]  }
0x29: {  	s4 =	sld [smem:$0x3FA9]  }
0x2a: {  	p0 =	seq.s32 s5, $0x0;
	s5 =	sld [smem:$0x3FAA]  }
0x2b: {  	s6 =	sld [smem:$0x3FAB]  }
0x2c: {  	s7 =	sld [smem:$0x3FAC]  }
0x2d: {  	s3 =	simm.s32 $0x108;
	s8 =	sld [smem:$0x3FAD]  }
0x2e: {  	s3 =	simm.s32 @!p0 $0x1082;
	s9 =	sld [smem:$0x3FAE]  }
0x2f: {  	lr =	sadd.s32 s0, s3;
	s0 =	sld [smem:$0x3FA5]  }
0x30: {  	s3 =	sld [smem:$0x3FA8]  }
0x31: {  	[smem:$0x3FB1] =	sst s10  }
0x32: {  	s10 =	sld [smem:$0x3FAF];
	_ =	sdelay $0x3  }
0x33: {  	p0 =	seq.s32 s10, $0x1;
	s10 =	sld [smem:$0x3FB1];
	_ =	sdelay $0x3  }
0x34: {  	[smem:$0x3FB1] =	sst s10  }
0x35: {  	s10 =	sld [smem:$0x3FB0];
	_ =	sdelay $0x3  }
0x36: {  	p1 =	seq.s32 s10, $0x1;
	s10 =	sld [smem:$0x3FB1];
	_ =	sdelay $0x3  }
0x37: {  	[smem:$0x3FB1] =	sst s10  }
0x38: {  	s10 =	sld [smem:$0x3FB2]  }
0x39: {  	_ = 	snop;
	(pc) =	sbr.ind lr, $3  }
0x3a: {  	_ = 	snop  }
0x3b: {  	_ = 	snop  }
0x3c: {  	p2 =	seq.s32 s10, $0x1;
	s10 =	sld [smem:$0x3FB1]  }
0x3d: {  	_ =	shalt  }
0x3e: {  	_ =	shalt  }
0x3f: {  	_ =	shalt  }
0x40: {  	_ =	shalt  }
0x41: {  	_ =	shalt  }
0x42: {  	_ =	shalt  }
0x43: {  	_ =	shalt  }
0x44: {  	_ =	shalt  }
0x45: {  	_ =	shalt  }
0x46: {  	_ =	shalt  }
0x47: {  	_ =	shalt  }
0x48: {  	_ =	shalt  }
0x49: {  	_ =	shalt  }
0x4a: {  	_ =	shalt  }
0x4b: {  	_ =	shalt  }
0x4c: {  	_ =	shalt  }
0x4d: {  	_ =	shalt  }
0x4e: {  	_ =	shalt  }
0x4f: {  	_ =	shalt  }
0x50: {  	_ =	shalt  }
0x51: {  	_ =	shalt  }
0x52: {  	_ =	shalt  }
0x53: {  	_ =	shalt  }
0x54: {  	_ =	shalt  }
0x55: {  	_ =	shalt  }
0x56: {  	_ =	shalt  }
0x57: {  	_ =	shalt  }
0x58: {  	_ =	shalt  }
0x59: {  	_ =	shalt  }
0x5a: {  	_ =	shalt  }
0x5b: {  	_ =	shalt  }
0x5c: {  	_ =	shalt  }
0x5d: {  	_ =	shalt  }
0x5e: {  	_ =	shalt  }
0x5f: {  	_ =	shalt  }
0x60: {  	_ =	shalt  }
0x61: {  	_ =	shalt  }
0x62: {  	_ =	shalt  }
0x63: {  	_ =	shalt  }
0x64: {  	_ =	shalt  }
0x65: {  	_ =	shalt  }
0x66: {  	_ =	shalt  }
0x67: {  	_ =	shalt  }
0x68: {  	_ =	shalt  }
0x69: {  	_ =	shalt  }
0x6a: {  	_ =	shalt  }
0x6b: {  	_ =	shalt  }
0x6c: {  	_ =	shalt  }
0x6d: {  	_ =	shalt  }
0x6e: {  	_ =	shalt  }
0x6f: {  	_ =	shalt  }
0x70: {  	_ =	shalt  }
0x71: {  	_ =	shalt  }
0x72: {  	_ =	shalt  }
0x73: {  	_ =	shalt  }
0x74: {  	_ =	shalt  }
0x75: {  	_ =	shalt  }
0x76: {  	_ =	shalt  }
0x77: {  	_ =	shalt  }
0x78: {  	_ =	shalt  }
0x79: {  	_ =	shalt  }
0x7a: {  	_ =	shalt  }
0x7b: {  	_ =	shalt  }
0x7c: {  	_ =	shalt  }
0x7d: {  	_ =	shalt  }
0x7e: {  	_ =	shalt  }
0x7f: {  	_ =	shalt  }
0x80: {  	_ =	shalt  }
0x81: {  	_ =	shalt  }
0x82: {  	_ =	shalt  }
0x83: {  	_ =	shalt  }
0x84: {  	_ =	shalt  }
0x85: {  	_ =	shalt  }
0x86: {  	_ =	shalt  }
0x87: {  	_ =	shalt  }
.Lfunc_end0:
.L_simem_size_0:
called_computation_lowered:
.L_overlay_start_0:
0x88: {  	s2 =	sld [smem:$0x3FD9]  }
0x89: {  	s3 =	sld [smem:$0x3FFE];
	_ =	sdelay $0x1  }
0x8a: {  	s1 =	srdreg.scid  }
0x8b: {  	s0 =	sand.u32 $0x1, s1  }
0x8c: {  	s17 =	sshll.u32 s0, $0xA;
	s2 =	sadd.s32 s3, s2  }
0x8d: {  	s2 =	sadd.s32 s2, s17  }
0x8e: {  	[smem:$0x3FBD] =	sst s2  }
0x8f: {  	_ = 	snop  }
0x90: {  	s2 =	sld [smem:$0x3FD0];
	(tm) =	ssettm $0x1  }
0x91: {  	s18 =	sld [smem:$0x3FFB];
	_ =	sdelay $0x3  }
0x92: {  	_ =	strace s18  }
0x93: {  	s3 =	sld [smem:$0x3FFC];
	_ =	sdelay $0x3  }
0x94: {  	_ =	strace s3  }
0x95: {  	s3 =	sld [smem:$0x3FFD];
	_ =	sdelay $0x3  }
0x96: {  	_ =	strace s3  }
0x97: {  	_ =	strace $0x8FFFFFFF  }
0x98: {  	s19 =	sld [smem:$0x3FDB];
	_ =	sdelay $0x1  }
0x99: {  	s4 =	simm.s32 $_scs_section_size  }
0x9a: {  	s5 =	simm.s32 $_size__tile_overlayer_lowered;
	s6 =	simm.s32 $_tile_overlayer_lowered  }
0x9b: {  	s22 =	simm.s32 $0x1BFF;
	s21 =	sshll.u32 s6, $0x1;
	s3 =	sadd.s32 s4, s19  }
0x9c: {  	s7 =	simm.s32 $0x0;
	s20 =	sshll.u32 s5, $0x1;
	s5 =	sadd.s32 s21, s3  }
0x9d: {  	[timem:s7], [sflag:s22] =	dma.local [hbm:s5], s20  }
0x9e: {  	_ =	swait.ge [sflag:s22], s20  }
0x9f: {  	s4 =	ssub.s32 $0x0, s20;
	[sflag:s22] =	ssyncset.done $0x0  }
0xa0: {  	[sflag:s22] =	ssyncadd.s32 s4;
	_ =	sdelay $0x1  }
0xa1: {  	s23 =	simm.s32 $0x1B8B  }
0xa2: {  	_ =	swait.ge [sflag:s23], $0x1  }
0xa3: {  	[sflag:s23] =	ssyncset.done $0x0  }
0xa4: {  	s25 =	simm.s32 $0x1B8E;
	s24 =	sld [smem:$0x3FFE];
	[sflag:s23] =	ssyncadd.s32 $0xFFFFFFFF  }
0xa5: {  	s26 =	simm.s32 $execute0_lowered;
	[smem:$0x3FD2] =	sst s25  }
0xa6: {  	s5 =	sshll.u32 s26, $0x1;
	_ =	strace $0x80000046;
	[dreg:$0x1] =	wrdreg $0xFFFFFFFF  }
0xa7: {  	s28 =	simm.s32 $_size_execute0_lowered;
	s3 =	sadd.s32 s3, s5;
	[dreg:$0x0] =	wrdreg $0x0  }
0xa8: {  	s5 =	sshll.u32 s28, $0x1;
	[dreg:$0x2] =	wrdreg s3  }
0xa9: {  	[dreg:$0x3] =	wrdreg s5  }
0xaa: {  	[dreg:$0x4] =	wrdreg $0xC0  }
0xab: {  	_ =	task [dreg:s7], $0x5FFFF  }
0xac: {  	[dreg:$0x1] =	wrdreg $0xFFFFFFFF  }
0xad: {  	[dreg:$0x0] =	wrdreg $0x60  }
0xae: {  	[dreg:$0x2] =	wrdreg s24  }
0xaf: {  	[dreg:$0x3] =	wrdreg s2  }
0xb0: {  	[dreg:$0x4] =	wrdreg $0x9  }
0xb1: {  	_ =	task.clear_ibuf [dreg:s7], $0x5FFFF;
	_ =	strace $0x90000046  }
0xb2: {  	s29 =	simm.s32 $0x9;
	_ =	strace $0x80000048  }
0xb3: {  	_ =	swait.ge [sflag:s29], $0x1  }
0xb4: {  	[sflag:s29] =	ssyncadd.s32 $0xFFFFFFFF  }
0xb5: {  	_ =	strace $0x90000048  }
0xb6: {  	_ =	sfence  }
0xb7: {  	s30 =	sld [smem:$0x0];
	_ =	sdelay $0x2  }
0xb8: {  	s31 =	sshll.u32 s1, $0xD;
	s1 =	sshrl.u32 s1, $0x2  }
0xb9: {  	s3 =	sand.u32 $0x4000, s31;
	s1 =	sadd.s32 s1, s30  }
0xba: {  	s0 =	sor.u32 s3, s0;
	s1 =	sshll.u32 s1, $0x11  }
0xbb: {  	s0 =	sor.u32 s1, s0  }
0xbc: {  	s0 =	sadd.s32 $0x8F2B, s0  }
0xbd: {  	[sflag:s0] =	ssyncadd.remote.s32 $0x1  }
0xbe: {  	_ =	sfence.sel $0xFFFF  }
0xbf: {  	[dreg:$0x0] =	wrdreg $0xFFFFFFFF;
	(pc) =	sbr.abs _section_cstart, $3  }
0xc0: {  	[dreg:$0x1] =	wrdreg $0xFFFFFFFF  }
0xc1: {  	_ =	task.clear_ibuf [dreg:s7], $0x2FFFF;
	_ =	strace $0x9FFFFFFF  }
0xc2: {  	(tm) =	ssettm $0x7FFFFFFF  }
0xc3: {  	_ =	shalt  }
tec
execute0_lowered:
.L_overlay_start_1:
0x0: {  	(tag) =	ssettag $0x1  }
0x1: {  	s0 =	rddreg [dreg:$0x0];
	s1 =	srdreg.scid  }
0x2: {  	s8 =	stileid.u32;
	s6 =	rddreg [dreg:$0x1]  }
0x3: {  	s2 =	simm.s32 $0x0;
	s10 =	simm.s32 $0x5;
	s11 =	simm.s32 $0x50  }
0x4: {  	s12 =	simm.s32 $0x6400;
	s13 =	simm.s32 $0x8C00;
	s15 =	simm.s32 $0xB400  }
0x5: {  	s17 =	simm.s32 $0xDC00;
	s19 =	simm.s32 $0x10400;
	s21 =	simm.s32 $0x12C00  }
0x6: {  	s23 =	simm.s32 $0x15400;
	s28 =	simm.s32 $0x1A400;
	s30 =	simm.s32 $0x1CC00  }
0x7: {  	s31 =	simm.s32 $0x1;
	s20 =	simm.s32 $0x460;
	s1 =	sand.u32 $0x1, s1  }
0x8: {  	s3 =	sshll.u32 s8, $0x1;
	[smem:$0x7FF] =	sst s2;
	s8 =	smul.u32 $0xC8000, s8  }
0x9: {  	s4 =	sor.u32 s1, s3;
	s25 =	ssub.s32 $0x2, s1;
	s1 =	smul.u32 $0x64000, s1  }
0xa: {  	s22 =	simm.s32 $0x2;
	_ =	strace $0x80000047;
	s5 =	smul.u32 $0x6400, s4  }
0xb: {  	s3 =	sadd.s32 $0x1A800, s0;
	s7 =	smul.u32 $0x64000, s4;
	s26 =	sshrl.u32 s25, $0x1  }
0xc: {  	s29 =	sadd.s32 s8, s6;
	s24 =	sshrl.u32 s5, $0x3;
	s5 =	ssub.s32 s25, s26  }
0xd: {  	s6 =	sadd.s32 s6, s7;
	s25 =	simm.s32 $0x17C00;
	s26 =	simm.s32 $0x0  }
0xe: {  	s0 =	sadd.s32 s24, s0;
	s5 =	smax.u32 s5, $0x1;
	s7 =	sadd.s32 $0x1900, s6  }
0xf: {  	s8 =	sadd.s32 $0x60E00, s6;
	s4 =	sadd.s32 $0x1800, s0;
	s0 =	sadd.s32 s1, s29  }
0x10: {  	s24 =	simm.s32 $0x4;
	s1 =	simm.s32 $0x3;
	s14 =	sadd.s32 $0x4B00, s0  }
.LBB2_1:
0x11: {  	[tilespmem:s2], [sflag:$0x5] =	stream.linear.gather [hbm4b:s4+s2], $0x6400, $0x38;
	[tilespmem:$0x1F400] =	vst v63  }
0x12: {  	_ =	swait.ge [sflag:s10], $0x6400  }
0x13: {  	[sflag:s10] =	ssyncset.done $0x0  }
0x14: {  	[sflag:s10] =	ssyncadd.s32 $0xFFFF9C00  }
0x15: {  	[tilespmem:s12], [sflag:$0x1] =	stream.indirect.gather [hbm4b:s3+s11], $0x80, s2, s11, $0xb8;
	[tilespmem:$0x1F400] =	vst v63  }
0x16: {  	_ = 	snop  }
0x17: {  	[tilespmem:s13], [sflag:$0x1] =	stream.indirect.gather [hbm4b:s3+s11], $0x80, s11, s11, $0xb8;
	[tilespmem:$0x1F400] =	vst v63  }
0x18: {  	s0 =	simm.s32 $0xA0  }
0x19: {  	[tilespmem:s15], [sflag:$0x1] =	stream.indirect.gather [hbm4b:s3+s11], $0x80, s0, s11, $0xb8;
	[tilespmem:$0x1F400] =	vst v63  }
0x1a: {  	s18 =	simm.s32 $0xF0  }
0x1b: {  	[tilespmem:s17], [sflag:$0x1] =	stream.indirect.gather [hbm4b:s3+s11], $0x80, s18, s11, $0xb8;
	[tilespmem:$0x1F400] =	vst v63  }
0x1c: {  	s9 =	simm.s32 $0x140  }
0x1d: {  	[tilespmem:s19], [sflag:$0x1] =	stream.indirect.gather [hbm4b:s3+s11], $0x80, s9, s11, $0xb8;
	[tilespmem:$0x1F400] =	vst v63  }
0x1e: {  	s16 =	simm.s32 $0x190  }
0x1f: {  	[tilespmem:s21], [sflag:$0x2] =	stream.indirect.gather [hbm4b:s3+s11], $0x80, s16, s11, $0xb8;
	[tilespmem:$0x1F400] =	vst v63  }
0x20: {  	s18 =	simm.s32 $0x1E0  }
0x21: {  	[tilespmem:s23], [sflag:$0x2] =	stream.indirect.gather [hbm4b:s3+s11], $0x80, s18, s11, $0xb8;
	[tilespmem:$0x1F400] =	vst v63  }
0x22: {  	s9 =	simm.s32 $0x230  }
0x23: {  	[tilespmem:s25], [sflag:$0x2] =	stream.indirect.gather [hbm4b:s3+s11], $0x80, s9, s11, $0xb8;
	[tilespmem:$0x1F400] =	vst v63  }
0x24: {  	s16 =	simm.s32 $0x280  }
0x25: {  	[tilespmem:s28], [sflag:$0x2] =	stream.indirect.gather [hbm4b:s3+s11], $0x80, s16, s11, $0xb8;
	[tilespmem:$0x1F400] =	vst v63  }
0x26: {  	s18 =	simm.s32 $0x2D0  }
0x27: {  	[tilespmem:s30], [sflag:$0x2] =	stream.indirect.gather [hbm4b:s3+s11], $0x80, s18, s11, $0xb8;
	[tilespmem:$0x1F400] =	vst v63  }
0x28: {  	_ =	swait.ge [sflag:s31], $0x2800  }
0x29: {  	[sflag:s31] =	ssyncset.done $0x0  }
0x2a: {  	[sflag:s31] =	ssyncadd.s32 $0xFFFFD800  }
0x2b: {  	_ =	swait.ge [sflag:s31], $0x2800  }
0x2c: {  	[sflag:s31] =	ssyncset.done $0x0  }
0x2d: {  	[sflag:s31] =	ssyncadd.s32 $0xFFFFD800  }
0x2e: {  	_ =	swait.ge [sflag:s31], $0x2800  }
0x2f: {  	[sflag:s31] =	ssyncset.done $0x0  }
0x30: {  	[sflag:s31] =	ssyncadd.s32 $0xFFFFD800  }
0x31: {  	_ =	swait.ge [sflag:s31], $0x2800  }
0x32: {  	[sflag:s31] =	ssyncset.done $0x0  }
0x33: {  	[sflag:s31] =	ssyncadd.s32 $0xFFFFD800  }
0x34: {  	_ =	swait.ge [sflag:s31], $0x2800  }
0x35: {  	[sflag:s31] =	ssyncset.done $0x0  }
0x36: {  	[sflag:s31] =	ssyncadd.s32 $0xFFFFD800  }
0x37: {  	[hbm4b:s6+s2] =	stream.linear.scatter [tilespmem:s12], [sflag:$0x3], $0xC800, $0x38;
	[tilespmem:$0x1F400] =	vst v63  }
0x38: {  	_ =	swait.ge [sflag:s1], $0xC800  }
0x39: {  	[sflag:s1] =	ssyncset.done $0x0  }
0x3a: {  	s9 =	simm.s32 $0x320;
	[sflag:s1] =	ssyncadd.s32 $0xFFFF3800  }
0x3b: {  	[tilespmem:s12], [sflag:$0x1] =	stream.indirect.gather [hbm4b:s3+s11], $0x80, s9, s11, $0xb8;
	[tilespmem:$0x1F400] =	vst v63  }
0x3c: {  	s16 =	simm.s32 $0x370  }
0x3d: {  	[tilespmem:s13], [sflag:$0x1] =	stream.indirect.gather [hbm4b:s3+s11], $0x80, s16, s11, $0xb8;
	[tilespmem:$0x1F400] =	vst v63  }
0x3e: {  	s18 =	simm.s32 $0x3C0  }
0x3f: {  	[tilespmem:s15], [sflag:$0x1] =	stream.indirect.gather [hbm4b:s3+s11], $0x80, s18, s11, $0xb8;
	[tilespmem:$0x1F400] =	vst v63  }
0x40: {  	s9 =	simm.s32 $0x410  }
0x41: {  	[tilespmem:s17], [sflag:$0x1] =	stream.indirect.gather [hbm4b:s3+s11], $0x80, s9, s11, $0xb8;
	[tilespmem:$0x1F400] =	vst v63  }
0x42: {  	_ = 	snop  }
0x43: {  	[tilespmem:s19], [sflag:$0x1] =	stream.indirect.gather [hbm4b:s3+s11], $0x80, s20, s11, $0xb8;
	[tilespmem:$0x1F400] =	vst v63  }
0x44: {  	_ =	swait.ge [sflag:s22], $0x2800  }
0x45: {  	[sflag:s22] =	ssyncset.done $0x0  }
0x46: {  	[sflag:s22] =	ssyncadd.s32 $0xFFFFD800  }
0x47: {  	_ =	swait.ge [sflag:s22], $0x2800  }
0x48: {  	[sflag:s22] =	ssyncset.done $0x0  }
0x49: {  	[sflag:s22] =	ssyncadd.s32 $0xFFFFD800  }
0x4a: {  	_ =	swait.ge [sflag:s22], $0x2800  }
0x4b: {  	[sflag:s22] =	ssyncset.done $0x0  }
0x4c: {  	[sflag:s22] =	ssyncadd.s32 $0xFFFFD800  }
0x4d: {  	_ =	swait.ge [sflag:s22], $0x2800  }
0x4e: {  	[sflag:s22] =	ssyncset.done $0x0  }
0x4f: {  	[sflag:s22] =	ssyncadd.s32 $0xFFFFD800  }
0x50: {  	_ =	swait.ge [sflag:s22], $0x2800  }
0x51: {  	[sflag:s22] =	ssyncset.done $0x0  }
0x52: {  	[sflag:s22] =	ssyncadd.s32 $0xFFFFD800  }
0x53: {  	[hbm4b:s7+s2] =	stream.linear.scatter [tilespmem:s21], [sflag:$0x4], $0xC800, $0x38;
	[tilespmem:$0x1F400] =	vst v63  }
0x54: {  	_ =	swait.ge [sflag:s24], $0xC800  }
0x55: {  	[sflag:s24] =	ssyncset.done $0x0  }
0x56: {  	s16 =	simm.s32 $0x4B0;
	[sflag:s24] =	ssyncadd.s32 $0xFFFF3800  }
0x57: {  	[tilespmem:s21], [sflag:$0x2] =	stream.indirect.gather [hbm4b:s3+s11], $0x80, s16, s11, $0xb8;
	[tilespmem:$0x1F400] =	vst v63  }
0x58: {  	s18 =	simm.s32 $0x500  }
0x59: {  	[tilespmem:s23], [sflag:$0x2] =	stream.indirect.gather [hbm4b:s3+s11], $0x80, s18, s11, $0xb8;
	[tilespmem:$0x1F400] =	vst v63  }
0x5a: {  	s9 =	simm.s32 $0x550  }
0x5b: {  	[tilespmem:s25], [sflag:$0x2] =	stream.indirect.gather [hbm4b:s3+s11], $0x80, s9, s11, $0xb8;
	[tilespmem:$0x1F400] =	vst v63  }
0x5c: {  	s16 =	simm.s32 $0x5A0  }
0x5d: {  	[tilespmem:s28], [sflag:$0x2] =	stream.indirect.gather [hbm4b:s3+s11], $0x80, s16, s11, $0xb8;
	[tilespmem:$0x1F400] =	vst v63  }
0x5e: {  	s18 =	simm.s32 $0x5F0  }
0x5f: {  	[tilespmem:s30], [sflag:$0x2] =	stream.indirect.gather [hbm4b:s3+s11], $0x80, s18, s11, $0xb8;
	[tilespmem:$0x1F400] =	vst v63  }
0x60: {  	_ =	swait.ge [sflag:s31], $0x2800  }
0x61: {  	[sflag:s31] =	ssyncset.done $0x0  }
0x62: {  	[sflag:s31] =	ssyncadd.s32 $0xFFFFD800  }
0x63: {  	_ =	swait.ge [sflag:s31], $0x2800  }
0x64: {  	[sflag:s31] =	ssyncset.done $0x0  }
0x65: {  	[sflag:s31] =	ssyncadd.s32 $0xFFFFD800  }
0x66: {  	_ =	swait.ge [sflag:s31], $0x2800  }
0x67: {  	[sflag:s31] =	ssyncset.done $0x0  }
0x68: {  	[sflag:s31] =	ssyncadd.s32 $0xFFFFD800  }
0x69: {  	_ =	swait.ge [sflag:s31], $0x2800  }
0x6a: {  	[sflag:s31] =	ssyncset.done $0x0  }
0x6b: {  	[sflag:s31] =	ssyncadd.s32 $0xFFFFD800  }
0x6c: {  	_ =	swait.ge [sflag:s31], $0x2800  }
0x6d: {  	[sflag:s31] =	ssyncset.done $0x0  }
0x6e: {  	s9 =	sadd.s32 $0xFFFFE700, s14;
	[sflag:s31] =	ssyncadd.s32 $0xFFFFD800  }
0x6f: {  	[hbm4b:s9+s2] =	stream.linear.scatter [tilespmem:s12], [sflag:$0x3], $0xC800, $0x38;
	[tilespmem:$0x1F400] =	vst v63  }
0x70: {  	_ =	swait.ge [sflag:s1], $0xC800  }
0x71: {  	[sflag:s1] =	ssyncset.done $0x0  }
0x72: {  	s16 =	simm.s32 $0x640;
	[sflag:s1] =	ssyncadd.s32 $0xFFFF3800  }
0x73: {  	[tilespmem:s12], [sflag:$0x1] =	stream.indirect.gather [hbm4b:s3+s11], $0x80, s16, s11, $0xb8;
	[tilespmem:$0x1F400] =	vst v63  }
0x74: {  	s18 =	simm.s32 $0x690  }
0x75: {  	[tilespmem:s13], [sflag:$0x1] =	stream.indirect.gather [hbm4b:s3+s11], $0x80, s18, s11, $0xb8;
	[tilespmem:$0x1F400] =	vst v63  }
0x76: {  	s9 =	simm.s32 $0x6E0  }
0x77: {  	[tilespmem:s15], [sflag:$0x1] =	stream.indirect.gather [hbm4b:s3+s11], $0x80, s9, s11, $0xb8;
	[tilespmem:$0x1F400] =	vst v63  }
0x78: {  	s16 =	simm.s32 $0x730  }
0x79: {  	[tilespmem:s17], [sflag:$0x1] =	stream.indirect.gather [hbm4b:s3+s11], $0x80, s16, s11, $0xb8;
	[tilespmem:$0x1F400] =	vst v63  }
0x7a: {  	s18 =	simm.s32 $0x780  }
0x7b: {  	[tilespmem:s19], [sflag:$0x1] =	stream.indirect.gather [hbm4b:s3+s11], $0x80, s18, s11, $0xb8;
	[tilespmem:$0x1F400] =	vst v63  }
0x7c: {  	_ =	swait.ge [sflag:s22], $0x2800  }
0x7d: {  	[sflag:s22] =	ssyncset.done $0x0  }
0x7e: {  	[sflag:s22] =	ssyncadd.s32 $0xFFFFD800  }
0x7f: {  	_ =	swait.ge [sflag:s22], $0x2800  }
0x80: {  	[sflag:s22] =	ssyncset.done $0x0  }
0x81: {  	[sflag:s22] =	ssyncadd.s32 $0xFFFFD800  }
0x82: {  	_ =	swait.ge [sflag:s22], $0x2800  }
0x83: {  	[sflag:s22] =	ssyncset.done $0x0  }
0x84: {  	[sflag:s22] =	ssyncadd.s32 $0xFFFFD800  }
0x85: {  	_ =	swait.ge [sflag:s22], $0x2800  }
0x86: {  	[sflag:s22] =	ssyncset.done $0x0  }
0x87: {  	[sflag:s22] =	ssyncadd.s32 $0xFFFFD800  }
0x88: {  	_ =	swait.ge [sflag:s22], $0x2800  }
0x89: {  	s29 =	sadd.s32 $0x3200, s14;
	[sflag:s22] =	ssyncset.done $0x0  }
0x8a: {  	s0 =	simm.s32 $0xC80;
	s9 =	smov.u32 s14;
	[sflag:s22] =	ssyncadd.s32 $0xFFFFD800  }
.LBB2_2:
0x8b: {  	[hbm4b:s9+s2] =	stream.linear.scatter [tilespmem:s21], [sflag:$0x4], $0xC800, $0x38;
	[tilespmem:$0x1F400] =	vst v63  }
0x8c: {  	s9 =	smov.u32 s0;
	s0 =	sadd.s32 $0xC80, s0;
	_ =	swait.ge [sflag:s24], $0xC800  }
0x8d: {  	s16 =	sshra.s32 s9, $0x2;
	p0 =	sne.s32 s0, $0x17700;
	[sflag:s24] =	ssyncset.done $0x0  }
0x8e: {  	s9 =	smov.u32 s29;
	s18 =	sadd.s32 $0x4B0, s16;
	[sflag:s24] =	ssyncadd.s32 $0xFFFF3800  }
0x8f: {  	[tilespmem:s21], [sflag:$0x2] =	stream.indirect.gather [hbm4b:s3+s11], $0x80, s18, s11, $0xb8;
	[tilespmem:$0x1F400] =	vst v63  }
0x90: {  	s18 =	sadd.s32 $0x500, s16  }
0x91: {  	[tilespmem:s23], [sflag:$0x2] =	stream.indirect.gather [hbm4b:s3+s11], $0x80, s18, s11, $0xb8;
	[tilespmem:$0x1F400] =	vst v63  }
0x92: {  	s18 =	sadd.s32 $0x550, s16  }
0x93: {  	[tilespmem:s25], [sflag:$0x2] =	stream.indirect.gather [hbm4b:s3+s11], $0x80, s18, s11, $0xb8;
	[tilespmem:$0x1F400] =	vst v63  }
0x94: {  	s18 =	sadd.s32 $0x5A0, s16  }
0x95: {  	[tilespmem:s28], [sflag:$0x2] =	stream.indirect.gather [hbm4b:s3+s11], $0x80, s18, s11, $0xb8;
	[tilespmem:$0x1F400] =	vst v63  }
0x96: {  	s18 =	sadd.s32 $0x5F0, s16  }
0x97: {  	[tilespmem:s30], [sflag:$0x2] =	stream.indirect.gather [hbm4b:s3+s11], $0x80, s18, s11, $0xb8;
	[tilespmem:$0x1F400] =	vst v63  }
0x98: {  	_ =	swait.ge [sflag:s31], $0x2800  }
0x99: {  	[sflag:s31] =	ssyncset.done $0x0  }
0x9a: {  	[sflag:s31] =	ssyncadd.s32 $0xFFFFD800  }
0x9b: {  	_ =	swait.ge [sflag:s31], $0x2800  }
0x9c: {  	[sflag:s31] =	ssyncset.done $0x0  }
0x9d: {  	[sflag:s31] =	ssyncadd.s32 $0xFFFFD800  }
0x9e: {  	_ =	swait.ge [sflag:s31], $0x2800  }
0x9f: {  	[sflag:s31] =	ssyncset.done $0x0  }
0xa0: {  	[sflag:s31] =	ssyncadd.s32 $0xFFFFD800  }
0xa1: {  	_ =	swait.ge [sflag:s31], $0x2800  }
0xa2: {  	[sflag:s31] =	ssyncset.done $0x0  }
0xa3: {  	[sflag:s31] =	ssyncadd.s32 $0xFFFFD800  }
0xa4: {  	_ =	swait.ge [sflag:s31], $0x2800  }
0xa5: {  	[sflag:s31] =	ssyncset.done $0x0  }
0xa6: {  	s18 =	sadd.s32 $0xFFFFE700, s29;
	[sflag:s31] =	ssyncadd.s32 $0xFFFFD800  }
0xa7: {  	[hbm4b:s18+s2] =	stream.linear.scatter [tilespmem:s12], [sflag:$0x3], $0xC800, $0x38;
	[tilespmem:$0x1F400] =	vst v63  }
0xa8: {  	_ =	swait.ge [sflag:s1], $0xC800  }
0xa9: {  	[sflag:s1] =	ssyncset.done $0x0  }
0xaa: {  	s18 =	sadd.s32 $0x640, s16;
	[sflag:s1] =	ssyncadd.s32 $0xFFFF3800  }
0xab: {  	[tilespmem:s12], [sflag:$0x1] =	stream.indirect.gather [hbm4b:s3+s11], $0x80, s18, s11, $0xb8;
	[tilespmem:$0x1F400] =	vst v63  }
0xac: {  	s18 =	sadd.s32 $0x690, s16  }
0xad: {  	[tilespmem:s13], [sflag:$0x1] =	stream.indirect.gather [hbm4b:s3+s11], $0x80, s18, s11, $0xb8;
	[tilespmem:$0x1F400] =	vst v63  }
0xae: {  	s18 =	sadd.s32 $0x6E0, s16  }
0xaf: {  	[tilespmem:s15], [sflag:$0x1] =	stream.indirect.gather [hbm4b:s3+s11], $0x80, s18, s11, $0xb8;
	[tilespmem:$0x1F400] =	vst v63  }
0xb0: {  	s18 =	sadd.s32 $0x730, s16  }
0xb1: {  	[tilespmem:s17], [sflag:$0x1] =	stream.indirect.gather [hbm4b:s3+s11], $0x80, s18, s11, $0xb8;
	[tilespmem:$0x1F400] =	vst v63  }
0xb2: {  	s16 =	sadd.s32 $0x780, s16  }
0xb3: {  	[tilespmem:s19], [sflag:$0x1] =	stream.indirect.gather [hbm4b:s3+s11], $0x80, s16, s11, $0xb8;
	[tilespmem:$0x1F400] =	vst v63  }
0xb4: {  	_ =	swait.ge [sflag:s22], $0x2800  }
0xb5: {  	[sflag:s22] =	ssyncset.done $0x0  }
0xb6: {  	[sflag:s22] =	ssyncadd.s32 $0xFFFFD800  }
0xb7: {  	_ =	swait.ge [sflag:s22], $0x2800  }
0xb8: {  	[sflag:s22] =	ssyncset.done $0x0  }
0xb9: {  	[sflag:s22] =	ssyncadd.s32 $0xFFFFD800  }
0xba: {  	_ =	swait.ge [sflag:s22], $0x2800  }
0xbb: {  	[sflag:s22] =	ssyncset.done $0x0  }
0xbc: {  	[sflag:s22] =	ssyncadd.s32 $0xFFFFD800  }
0xbd: {  	_ =	swait.ge [sflag:s22], $0x2800  }
.Ltmp0:
0xbe: {  	[sflag:s22] =	ssyncset.done $0x0;
	(pc) =	sbr.rel @p0 .LBB2_2-.Ltmp0, $4  }
0xbf: {  	[sflag:s22] =	ssyncadd.s32 $0xFFFFD800  }
0xc0: {  	_ =	swait.ge [sflag:s22], $0x2800  }
0xc1: {  	[sflag:s22] =	ssyncset.done $0x0  }
0xc2: {  	s29 =	sadd.s32 $0x3200, s29;
	[sflag:s22] =	ssyncadd.s32 $0xFFFFD800  }
0xc3: {  	[hbm4b:s9+s2] =	stream.linear.scatter [tilespmem:s21], [sflag:$0x4], $0xC800, $0x38;
	[tilespmem:$0x1F400] =	vst v63  }
0xc4: {  	_ =	swait.ge [sflag:s24], $0xC800  }
0xc5: {  	s0 =	sshra.s32 s0, $0x2;
	[sflag:s24] =	ssyncset.done $0x0  }
0xc6: {  	s16 =	sadd.s32 $0x4B0, s0;
	[sflag:s24] =	ssyncadd.s32 $0xFFFF3800  }
0xc7: {  	[tilespmem:s21], [sflag:$0x2] =	stream.indirect.gather [hbm4b:s3+s11], $0x80, s16, s11, $0xb8;
	[tilespmem:$0x1F400] =	vst v63  }
0xc8: {  	s18 =	sadd.s32 $0x500, s0  }
0xc9: {  	[tilespmem:s23], [sflag:$0x2] =	stream.indirect.gather [hbm4b:s3+s11], $0x80, s18, s11, $0xb8;
	[tilespmem:$0x1F400] =	vst v63  }
0xca: {  	s16 =	sadd.s32 $0x550, s0  }
0xcb: {  	[tilespmem:s25], [sflag:$0x2] =	stream.indirect.gather [hbm4b:s3+s11], $0x80, s16, s11, $0xb8;
	[tilespmem:$0x1F400] =	vst v63  }
0xcc: {  	s18 =	sadd.s32 $0x5A0, s0  }
0xcd: {  	[tilespmem:s28], [sflag:$0x2] =	stream.indirect.gather [hbm4b:s3+s11], $0x80, s18, s11, $0xb8;
	[tilespmem:$0x1F400] =	vst v63  }
0xce: {  	s0 =	sadd.s32 $0x5F0, s0  }
0xcf: {  	[tilespmem:s30], [sflag:$0x2] =	stream.indirect.gather [hbm4b:s3+s11], $0x80, s0, s11, $0xb8;
	[tilespmem:$0x1F400] =	vst v63  }
0xd0: {  	_ =	swait.ge [sflag:s31], $0x2800  }
0xd1: {  	[sflag:s31] =	ssyncset.done $0x0  }
0xd2: {  	[sflag:s31] =	ssyncadd.s32 $0xFFFFD800  }
0xd3: {  	_ =	swait.ge [sflag:s31], $0x2800  }
0xd4: {  	[sflag:s31] =	ssyncset.done $0x0  }
0xd5: {  	[sflag:s31] =	ssyncadd.s32 $0xFFFFD800  }
0xd6: {  	_ =	swait.ge [sflag:s31], $0x2800  }
0xd7: {  	[sflag:s31] =	ssyncset.done $0x0  }
0xd8: {  	[sflag:s31] =	ssyncadd.s32 $0xFFFFD800  }
0xd9: {  	_ =	swait.ge [sflag:s31], $0x2800  }
0xda: {  	[sflag:s31] =	ssyncset.done $0x0  }
0xdb: {  	[sflag:s31] =	ssyncadd.s32 $0xFFFFD800  }
0xdc: {  	_ =	swait.ge [sflag:s31], $0x2800  }
0xdd: {  	[sflag:s31] =	ssyncset.done $0x0  }
0xde: {  	[sflag:s31] =	ssyncadd.s32 $0xFFFFD800  }
0xdf: {  	[hbm4b:s8+s2] =	stream.linear.scatter [tilespmem:s12], [sflag:$0x3], $0xC800, $0x38;
	[tilespmem:$0x1F400] =	vst v63  }
0xe0: {  	_ =	swait.ge [sflag:s1], $0xC800  }
0xe1: {  	[sflag:s1] =	ssyncset.done $0x0  }
0xe2: {  	[sflag:s1] =	ssyncadd.s32 $0xFFFF3800  }
0xe3: {  	_ =	swait.ge [sflag:s22], $0x2800  }
0xe4: {  	[sflag:s22] =	ssyncset.done $0x0  }
0xe5: {  	[sflag:s22] =	ssyncadd.s32 $0xFFFFD800  }
0xe6: {  	_ =	swait.ge [sflag:s22], $0x2800  }
0xe7: {  	[sflag:s22] =	ssyncset.done $0x0  }
0xe8: {  	[sflag:s22] =	ssyncadd.s32 $0xFFFFD800  }
0xe9: {  	_ =	swait.ge [sflag:s22], $0x2800  }
0xea: {  	[sflag:s22] =	ssyncset.done $0x0  }
0xeb: {  	[sflag:s22] =	ssyncadd.s32 $0xFFFFD800  }
0xec: {  	_ =	swait.ge [sflag:s22], $0x2800  }
0xed: {  	[sflag:s22] =	ssyncset.done $0x0  }
0xee: {  	[sflag:s22] =	ssyncadd.s32 $0xFFFFD800  }
0xef: {  	s26 =	sadd.s32 $0x1, s26;
	_ =	swait.ge [sflag:s22], $0x2800  }
0xf0: {  	p0 =	sne.s32 s26, s5;
	[sflag:s22] =	ssyncset.done $0x0  }
.Ltmp1:
0xf1: {  	[sflag:s22] =	ssyncadd.s32 $0xFFFFD800;
	(pc) =	sbr.rel @p0 .LBB2_1-.Ltmp1, $4  }
0xf2: {  	[hbm4b:s29+s2] =	stream.linear.scatter [tilespmem:s21], [sflag:$0x4], $0xC800, $0x38;
	[tilespmem:$0x1F400] =	vst v63  }
0xf3: {  	_ =	swait.ge [sflag:s24], $0xC800  }
0xf4: {  	[sflag:s24] =	ssyncset.done $0x0  }
0xf5: {  	[sflag:s24] =	ssyncadd.s32 $0xFFFF3800  }
0xf6: {  	_ =	sfence.sel $0x180000  }
0xf7: {  	[bflag:$0x0] =	sbarrier.arrive $0xFFFF  }
0xf8: {  	_ =	strace $0x90000047  }
0xf9: {  	s0 =	stileid.u32;
	[bflag:$0x2] =	sbarrier.arrive $0xFFFF  }
0xfa: {  	p0 =	sne.s32 s0, $0x0;
	s0 =	rddreg [dreg:$0x2]  }
0xfb: {  	s0 =	sadd.s32 @!p0 $0x100000, s0  }
0xfc: {  	[sflag:s0] =	ssyncadd.tile.s32 @!p0 $0x1;
	_ =	shalt  }
.Lfunc_end2:
_tile_overlayer_lowered:
.L_overlay_start_2:
0xfd: {  	(tag) =	ssettag $0x2  }
0xfe: {  	s0 =	rddreg [dreg:$0x0];
	s2 =	stileid.u32  }
0xff: {  	s1 =	rddreg [dreg:$0x1];
	p0 =	sne.s32 s2, $0x0  }
0x100: {  	s3 =	rddreg [dreg:$0x2];
	[bflag:$0x3] =	sbarrier.arrive $0xFFFF;
	s2 =	simm.s32 @!p0 $0x1C05  }
0x101: {  	[timem:s3], [sflag:s2] =	dma.local @!p0 [hbm:s0], s1  }
0x102: {  	s0 =	simm.s32 @!p0 $0x5  }
0x103: {  	_ =	swait.ge @!p0 [sflag:s0], s1  }
0x104: {  	s1 =	ssub.s32 @!p0 $0x0, s1;
	[sflag:s0] =	ssyncset.done @!p0 $0x0  }
0x105: {  	[sflag:s0] =	ssyncadd.s32 @!p0 s1  }
0x106: {  	[bflag:$0x3] =	sbarrier.arrive $0xFFFF  }
0x107: {  	_ =	shalt  }

</sc_bundles>
